<compile_context>
chip_gen: v7x
topology: tpu7x:2x2x1
jax: 0.10.2.dev20260603
libtpu: 0.0.44.dev20260713+nightly
codegen_flags: <defaults>
</compile_context>

<pallas_src>
import functools

import jax
import jax.numpy as jnp
from jax import lax
from jax.experimental import pallas as pl
from jax.experimental.pallas import tpu as pltpu
from jax.experimental.pallas import tpu_sc as plsc

N = 10000
NP = 10240
E = 160000
NT = 16
NC = 2
ROWS_PER_TILE = NP // NT


def _mesh():
    return plsc.VectorSubcoreMesh(core_axis_name="c", subcore_axis_name="s")


def _make_agg_feat(n_fc, Fc, B, nb):
    fc_per_core = n_fc // NC

    @functools.partial(
        pl.kernel,
        mesh=_mesh(),
        out_type=jax.ShapeDtypeStruct((n_fc, NP, Fc), jnp.float32),
        scratch_types=[
            pltpu.VMEM((nb, B), jnp.int32),
            pltpu.VMEM((nb, 1, B), jnp.int32),
            pltpu.VMEM((B, Fc), jnp.float32),
            pltpu.VMEM_SHARED((NP, Fc), jnp.float32),
            pltpu.SemaphoreType.DMA,
        ],
    )
    def k(y_hbm, src_hbm, dst_hbm, zeros_hbm, z_hbm, src_v, dst_v, buf, acc, sem):
        c = lax.axis_index("c")
        s = lax.axis_index("s")
        pltpu.sync_copy(src_hbm.at[s], src_v)
        pltpu.sync_copy(dst_hbm.at[s], dst_v)
        row0 = s * ROWS_PER_TILE
        rows = pl.ds(row0, ROWS_PER_TILE)
        for fci in range(fc_per_core):
            fc = c * fc_per_core + fci
            pltpu.sync_copy(zeros_hbm.at[rows], acc.at[rows])
            plsc.subcore_barrier()

            def body(j, carry):
                pltpu.async_copy(y_hbm.at[fc].at[src_v.at[j]], buf, sem).wait()
                pltpu.sync_copy(buf, acc.at[dst_v.at[j, 0]], add=True)
                return carry

            lax.fori_loop(0, nb, body, 0)
            plsc.subcore_barrier()
            pltpu.sync_copy(acc.at[rows], z_hbm.at[fc].at[rows])

    return k


def _make_agg_edge(Fc, B, nb):
    @functools.partial(
        pl.kernel,
        mesh=_mesh(),
        out_type=jax.ShapeDtypeStruct((NC, NP, Fc), jnp.float32),
        scratch_types=[
            pltpu.VMEM((nb, B), jnp.int32),
            pltpu.VMEM((nb, 1, B), jnp.int32),
            pltpu.VMEM((B, Fc), jnp.float32),
            pltpu.VMEM_SHARED((NP, Fc), jnp.float32),
            pltpu.SemaphoreType.DMA,
        ],
    )
    def k(y_hbm, src_hbm, dst_hbm, zeros_hbm, z_hbm, src_v, dst_v, buf, acc, sem):
        c = lax.axis_index("c")
        s = lax.axis_index("s")
        pltpu.sync_copy(src_hbm.at[c].at[s], src_v)
        pltpu.sync_copy(dst_hbm.at[c].at[s], dst_v)
        row0 = s * ROWS_PER_TILE
        rows = pl.ds(row0, ROWS_PER_TILE)
        pltpu.sync_copy(zeros_hbm.at[rows], acc.at[rows])
        plsc.subcore_barrier()

        def body(j, carry):
            pltpu.async_copy(y_hbm.at[src_v.at[j]], buf, sem).wait()
            pltpu.sync_copy(buf, acc.at[dst_v.at[j, 0]], add=True)
            return carry

        lax.fori_loop(0, nb, body, 0)
        plsc.subcore_barrier()
        pltpu.sync_copy(acc.at[rows], z_hbm.at[c].at[rows])

    return k


def _make_deg(B, nb):
    Fc = 128

    @functools.partial(
        pl.kernel,
        mesh=_mesh(),
        out_type=jax.ShapeDtypeStruct((NC, NP, Fc), jnp.float32),
        scratch_types=[
            pltpu.VMEM((nb, 1, B), jnp.int32),
            pltpu.VMEM((B, Fc), jnp.float32),
            pltpu.VMEM_SHARED((NP, Fc), jnp.float32),
        ],
    )
    def k(dst_hbm, ones_hbm, zeros_hbm, z_hbm, dst_v, buf, acc):
        c = lax.axis_index("c")
        s = lax.axis_index("s")
        pltpu.sync_copy(dst_hbm.at[c].at[s], dst_v)
        pltpu.sync_copy(ones_hbm, buf)
        row0 = s * ROWS_PER_TILE
        rows = pl.ds(row0, ROWS_PER_TILE)
        pltpu.sync_copy(zeros_hbm.at[rows], acc.at[rows])
        plsc.subcore_barrier()

        def body(j, carry):
            pltpu.sync_copy(buf, acc.at[dst_v.at[j, 0]], add=True)
            return carry

        lax.fori_loop(0, nb, body, 0)
        plsc.subcore_barrier()
        pltpu.sync_copy(acc.at[rows], z_hbm.at[c].at[rows])

    return k


BM = 1024


def _dinv_kernel(degp_ref, o_ref):
    v = degp_ref[...]
    deg = v[0, :, 0:1] + v[1, :, 0:1] + 1.0
    o_ref[...] = lax.rsqrt(deg)


def _dinv(degp):
    return pl.pallas_call(
        _dinv_kernel,
        grid=(NP // BM,),
        in_specs=[pl.BlockSpec((NC, BM, 128), lambda m: (0, m, 0))],
        out_specs=pl.BlockSpec((BM, 1), lambda m: (m, 0)),
        out_shape=jax.ShapeDtypeStruct((NP, 1), jnp.float32),
    )(degp)


def _scale_chunk_kernel(x_ref, d_ref, o_ref):
    o_ref[...] = (x_ref[...] * d_ref[...])[None]


def _scale_chunk(x, dinv, n_fc):
    return pl.pallas_call(
        _scale_chunk_kernel,
        grid=(NP // BM, n_fc),
        in_specs=[
            pl.BlockSpec((BM, 128), lambda m, f: (m, f)),
            pl.BlockSpec((BM, 1), lambda m, f: (m, 0)),
        ],
        out_specs=pl.BlockSpec((1, BM, 128), lambda m, f: (f, m, 0)),
        out_shape=jax.ShapeDtypeStruct((n_fc, NP, 128), jnp.float32),
    )(x, dinv)


def _combine_kernel(z_ref, y_ref, d_ref, o_ref):
    o_ref[...] = d_ref[...] * (z_ref[0] + y_ref[0])


def _combine(z, y, dinv, F):
    n_fc = F // 128
    return pl.pallas_call(
        _combine_kernel,
        grid=(NP // BM, n_fc),
        in_specs=[
            pl.BlockSpec((1, BM, 128), lambda m, f: (f, m, 0)),
            pl.BlockSpec((1, BM, 128), lambda m, f: (f, m, 0)),
            pl.BlockSpec((BM, 1), lambda m, f: (m, 0)),
        ],
        out_specs=pl.BlockSpec((BM, 128), lambda m, f: (m, f)),
        out_shape=jax.ShapeDtypeStruct((NP, F), jnp.float32),
    )(z, y, dinv)


def _mm_bias_relu_kernel(a_ref, w_ref, b_ref, o_ref):
    acc = jnp.dot(a_ref[...], w_ref[...], preferred_element_type=jnp.float32)
    o_ref[...] = jnp.maximum(acc + b_ref[...], 0.0)


def _mm_bias_relu(a, w, b):
    K = a.shape[1]
    F = w.shape[1]
    return pl.pallas_call(
        _mm_bias_relu_kernel,
        grid=(NP // BM, F // 128),
        in_specs=[
            pl.BlockSpec((BM, K), lambda m, f: (m, 0)),
            pl.BlockSpec((K, 128), lambda m, f: (0, f)),
            pl.BlockSpec((1, 128), lambda m, f: (0, f)),
        ],
        out_specs=pl.BlockSpec((BM, 128), lambda m, f: (m, f)),
        out_shape=jax.ShapeDtypeStruct((NP, F), jnp.float32),
    )(a, w, b)


def _mm_scale_chunk_kernel(a_ref, w_ref, d_ref, o_ref):
    acc = jnp.dot(a_ref[...], w_ref[...], preferred_element_type=jnp.float32)
    o_ref[...] = (d_ref[...] * acc)[None]


def _mm_scale_chunk(a, w, dinv):
    K = a.shape[1]
    F = w.shape[1]
    n_fc = F // 128
    return pl.pallas_call(
        _mm_scale_chunk_kernel,
        grid=(NP // BM, n_fc),
        in_specs=[
            pl.BlockSpec((BM, K), lambda m, f: (m, 0)),
            pl.BlockSpec((K, 128), lambda m, f: (0, f)),
            pl.BlockSpec((BM, 1), lambda m, f: (m, 0)),
        ],
        out_specs=pl.BlockSpec((1, BM, 128), lambda m, f: (f, m, 0)),
        out_shape=jax.ShapeDtypeStruct((n_fc, NP, 128), jnp.float32),
    )(a, w, dinv)


def _combine3_kernel(z_ref, y_ref, d_ref, b_ref, o_ref):
    o_ref[...] = d_ref[...] * (z_ref[0] + z_ref[1] + y_ref[...]) + b_ref[...]


def _combine3(z, y, dinv, b128):
    return pl.pallas_call(
        _combine3_kernel,
        grid=(NP // BM,),
        in_specs=[
            pl.BlockSpec((NC, BM, 128), lambda m: (0, m, 0)),
            pl.BlockSpec((BM, 128), lambda m: (m, 0)),
            pl.BlockSpec((BM, 1), lambda m: (m, 0)),
            pl.BlockSpec((1, 128), lambda m: (0, 0)),
        ],
        out_specs=pl.BlockSpec((BM, 128), lambda m: (m, 0)),
        out_shape=jax.ShapeDtypeStruct((NP, 128), jnp.float32),
    )(z, y, dinv, b128)


def _combine_bias_relu_kernel(z_ref, y_ref, d_ref, b_ref, o_ref):
    o_ref[...] = jnp.maximum(
        d_ref[...] * (z_ref[0] + y_ref[0]) + b_ref[...], 0.0
    )


def _combine_bias_relu(z, y, dinv, b, F):
    n_fc = F // 128
    return pl.pallas_call(
        _combine_bias_relu_kernel,
        grid=(NP // BM, n_fc),
        in_specs=[
            pl.BlockSpec((1, BM, 128), lambda m, f: (f, m, 0)),
            pl.BlockSpec((1, BM, 128), lambda m, f: (f, m, 0)),
            pl.BlockSpec((BM, 1), lambda m, f: (m, 0)),
            pl.BlockSpec((1, 128), lambda m, f: (0, f)),
        ],
        out_specs=pl.BlockSpec((BM, 128), lambda m, f: (m, f)),
        out_shape=jax.ShapeDtypeStruct((NP, F), jnp.float32),
    )(z, y, dinv, b)


B_FEAT = 80
NB_FEAT = E // (NT * B_FEAT)
B_EDGE = 40
NB_EDGE = E // (NC * NT * B_EDGE)

_agg1 = _make_agg_feat(2, 128, B_FEAT, NB_FEAT)
_agg2 = _make_agg_feat(4, 128, B_FEAT, NB_FEAT)
_agg3 = _make_agg_edge(128, B_EDGE, NB_EDGE)
_deg = _make_deg(B_EDGE, NB_EDGE)


@jax.jit
def kernel(x, edge_index, W1, b1, W2, b2, W3, b3):
    ei = edge_index.astype(jnp.int32)
    src = ei[0]
    dst = ei[1]
    src_f = src.reshape(NT, NB_FEAT, B_FEAT)
    dst_f = dst.reshape(NT, NB_FEAT, 1, B_FEAT)
    src_e = src.reshape(NC, NT, NB_EDGE, B_EDGE)
    dst_e = dst.reshape(NC, NT, NB_EDGE, 1, B_EDGE)

    z128 = jnp.zeros((NP, 128), jnp.float32)
    ones128 = jnp.ones((B_EDGE, 128), jnp.float32)
    xp = jnp.zeros((NP, 256), jnp.float32).at[:N].set(x)

    degp = _deg(dst_e, ones128, z128)
    dinv = _dinv(degp)

    y1 = _scale_chunk(xp, dinv, 2)
    zz1 = _agg1(y1, src_f, dst_f, z128)
    g1 = _combine(zz1, y1, dinv, 256)
    h1 = _mm_bias_relu(g1, W1, b1.reshape(1, 512))

    y2 = _mm_scale_chunk(h1, W2, dinv)
    zz2 = _agg2(y2, src_f, dst_f, z128)
    h2 = _combine_bias_relu(zz2, y2, dinv, b2.reshape(1, 512), 512)

    W3p = jnp.zeros((512, 128), jnp.float32).at[:, :2].set(W3)
    y3full = _mm_scale_chunk(h2, W3p, dinv)
    y3 = y3full[0]
    zz3 = _agg3(y3, src_e, dst_e, z128)
    b128 = jnp.zeros((1, 128), jnp.float32).at[0, :2].set(b3)
    out = _combine3(zz3, y3, dinv, b128)
    return out[:N, :2]

# --- scband reference (transcript-rebuilt; emitter-appended) ---
"""Pipeline reference for scband-gcn-5643587027019 (READ-ONLY COPY).

The authoritative reference and input builder live on the scoring server;
editing this copy changes nothing except your own understanding.
"""

import jax, jax.numpy as jnp
import numpy as np

N_NODES = 10000


def gcn_conv(x, edge_index, W, b):
    # x: [N, Fin], edge_index: [2, E]
    n = x.shape[0]
    x = x @ W  # linear transform first (PyG GCNConv style)
    src = edge_index[0]
    dst = edge_index[1]
    # add self loops
    loop = jnp.arange(n, dtype=edge_index.dtype)
    src = jnp.concatenate([src, loop])
    dst = jnp.concatenate([dst, loop])
    # symmetric normalization D^{-1/2} (A+I) D^{-1/2}
    deg = jnp.zeros((n,), dtype=x.dtype).at[dst].add(1.0)
    dinv = jax.lax.rsqrt(jnp.clip(deg, 1.0, None))
    norm = dinv[src] * dinv[dst]
    msg = x[src] * norm[:, None]
    out = jax.ops.segment_sum(msg, dst, num_segments=n)
    return out + b


def setup_inputs(seed: int = 0) -> dict:
    key = jax.random.key(seed)
    ks = jax.random.split(key, 8)
    x = jax.random.normal(ks[0], (N_NODES, 256), dtype=jnp.float32)
    edge_index = jax.random.randint(ks[1], (2, 160000), 0, N_NODES, dtype=jnp.int64)
    # layer params: 256->512, 512->512, 512->2 (glorot-ish scaling)
    W1 = jax.random.normal(ks[2], (256, 512), dtype=jnp.float32) * (1.0 / np.sqrt(256))
    b1 = jnp.zeros((512,), dtype=jnp.float32)
    W2 = jax.random.normal(ks[3], (512, 512), dtype=jnp.float32) * (1.0 / np.sqrt(512))
    b2 = jnp.zeros((512,), dtype=jnp.float32)
    W3 = jax.random.normal(ks[4], (512, 2), dtype=jnp.float32) * (1.0 / np.sqrt(512))
    b3 = jnp.zeros((2,), dtype=jnp.float32)
    return {"x": x, "edge_index": edge_index, "W1": W1, "b1": b1, "W2": W2, "b2": b2, "W3": W3, "b3": b3}


def reference(x, edge_index, W1, b1, W2, b2, W3, b3):
    # GCN forward in eval mode (dropout p=0.5 is identity at inference)
    h = gcn_conv(x, edge_index, W1, b1)
    h = jax.nn.relu(h)
    h = gcn_conv(h, edge_index, W2, b2)
    h = jax.nn.relu(h)
    out = gcn_conv(h, edge_index, W3, b3)
    return out

if __name__ == "__main__":
    import jax
    _d = setup_inputs()
    print(jax.jit(kernel)(*tuple(_d.values())))

</pallas_src>

<mosaic_0001>
#map = affine_map<(d0, d1) -> (0, 0, 0, 0, 0)>
#map1 = affine_map<(d0, d1) -> (0, 0)>
#map2 = affine_map<(d0, d1) -> (0, 0, 0)>
module attributes {stable_mosaic.version = 14 : i64} {
  func.func @k(%arg0: i32, %arg1: i32, %arg2: memref<2x16x125x1x40xi32, #tpu.memory_space<hbm>>, %arg3: memref<40x128xf32, #tpu.memory_space<hbm>>, %arg4: memref<10240x128xf32, #tpu.memory_space<hbm>>, %arg5: memref<2x10240x128xf32, #tpu.memory_space<hbm>>, %arg6: memref<125x1x40xi32, #tpu.memory_space<vmem>>, %arg7: memref<40x128xf32, #tpu.memory_space<vmem>>, %arg8: memref<10240x128xf32, #tpu.memory_space<vmem_shared>>) attributes {dimension_semantics = [#tpu.dimension_semantics<core_parallel>, #tpu.dimension_semantics<subcore_parallel>], iteration_bounds = array<i64: 2, 16>, scalar_prefetch = 0 : i64, scratch_operands = 3 : i64, tpu.core_type = #tpu.core_type<sc_vector_subcore>, window_params = [{transform_indices = #map}, {transform_indices = #map1}, {transform_indices = #map1}, {transform_indices = #map2}]} {
    "tpu.region"() ({
      %run_scoped3A = tpu.sem_alloc : memref<!tpu.dma_semaphore, #tpu.memory_space<semaphore_mem>>
      %dma_start3A = arith.constant 0 : i32
      %dma_start3A_7 = arith.constant 0 : i32
      %dma_start3A_8 = arith.constant 0 : i32
      %dma_start3A_9 = arith.constant 0 : i32
      %dma_start3A_10 = tpu.memref_slice %arg2[%arg0, %dma_start3A, %dma_start3A_7, %dma_start3A_8, %dma_start3A_9] : memref<2x16x125x1x40xi32, #tpu.memory_space<hbm>> -> memref<1x16x125x1x40xi32, #tpu.memory_space<hbm>>
      %dma_start3A_11 = tpu.memref_squeeze %dma_start3A_10 : memref<1x16x125x1x40xi32, #tpu.memory_space<hbm>> -> memref<16x125x1x40xi32, #tpu.memory_space<hbm>>
      %dma_start3A_12 = arith.constant 0 : i32
      %dma_start3A_13 = arith.constant 0 : i32
      %dma_start3A_14 = arith.constant 0 : i32
      %dma_start3A_15 = tpu.memref_slice %dma_start3A_11[%arg1, %dma_start3A_12, %dma_start3A_13, %dma_start3A_14] : memref<16x125x1x40xi32, #tpu.memory_space<hbm>> -> memref<1x125x1x40xi32, #tpu.memory_space<hbm>>
      %dma_start3A_16 = tpu.memref_squeeze %dma_start3A_15 : memref<1x125x1x40xi32, #tpu.memory_space<hbm>> -> memref<125x1x40xi32, #tpu.memory_space<hbm>>
      %dma_start3A_17 = arith.constant 0 : i32
      %dma_start3A_18 = arith.constant 0 : i32
      %dma_start3A_19 = arith.constant 0 : i32
      %dma_start3A_20 = arith.constant 0 : i32
      %dma_start3A_21 = tpu.memref_slice %arg2[%arg0, %dma_start3A_17, %dma_start3A_18, %dma_start3A_19, %dma_start3A_20] : memref<2x16x125x1x40xi32, #tpu.memory_space<hbm>> -> memref<1x16x125x1x40xi32, #tpu.memory_space<hbm>>
      %dma_start3A_22 = tpu.memref_squeeze %dma_start3A_21 : memref<1x16x125x1x40xi32, #tpu.memory_space<hbm>> -> memref<16x125x1x40xi32, #tpu.memory_space<hbm>>
      %dma_start3A_23 = arith.constant 0 : i32
      %dma_start3A_24 = arith.constant 0 : i32
      %dma_start3A_25 = arith.constant 0 : i32
      %dma_start3A_26 = tpu.memref_slice %dma_start3A_22[%arg1, %dma_start3A_23, %dma_start3A_24, %dma_start3A_25] : memref<16x125x1x40xi32, #tpu.memory_space<hbm>> -> memref<1x125x1x40xi32, #tpu.memory_space<hbm>>
      %dma_start3A_27 = tpu.memref_squeeze %dma_start3A_26 : memref<1x125x1x40xi32, #tpu.memory_space<hbm>> -> memref<125x1x40xi32, #tpu.memory_space<hbm>>
      tpu.enqueue_dma source(%dma_start3A_27 : memref<125x1x40xi32, #tpu.memory_space<hbm>>) target(%arg6 : memref<125x1x40xi32, #tpu.memory_space<vmem>>) target_semaphore(%run_scoped3A : memref<!tpu.dma_semaphore, #tpu.memory_space<semaphore_mem>>)
      %dma_wait3A = arith.constant 0 : i32
      %dma_wait3A_28 = arith.constant 0 : i32
      %dma_wait3A_29 = arith.constant 0 : i32
      %dma_wait3A_30 = arith.constant 0 : i32
      %dma_wait3A_31 = tpu.memref_slice %arg2[%arg0, %dma_wait3A, %dma_wait3A_28, %dma_wait3A_29, %dma_wait3A_30] : memref<2x16x125x1x40xi32, #tpu.memory_space<hbm>> -> memref<1x16x125x1x40xi32, #tpu.memory_space<hbm>>
      %dma_wait3A_32 = tpu.memref_squeeze %dma_wait3A_31 : memref<1x16x125x1x40xi32, #tpu.memory_space<hbm>> -> memref<16x125x1x40xi32, #tpu.memory_space<hbm>>
      %dma_wait3A_33 = arith.constant 0 : i32
      %dma_wait3A_34 = arith.constant 0 : i32
      %dma_wait3A_35 = arith.constant 0 : i32
      %dma_wait3A_36 = tpu.memref_slice %dma_wait3A_32[%arg1, %dma_wait3A_33, %dma_wait3A_34, %dma_wait3A_35] : memref<16x125x1x40xi32, #tpu.memory_space<hbm>> -> memref<1x125x1x40xi32, #tpu.memory_space<hbm>>
      %dma_wait3A_37 = tpu.memref_squeeze %dma_wait3A_36 : memref<1x125x1x40xi32, #tpu.memory_space<hbm>> -> memref<125x1x40xi32, #tpu.memory_space<hbm>>
      %dma_wait3A_38 = arith.constant 0 : i32
      %dma_wait3A_39 = arith.constant 0 : i32
      %dma_wait3A_40 = arith.constant 0 : i32
      %dma_wait3A_41 = arith.constant 0 : i32
      %dma_wait3A_42 = tpu.memref_slice %arg2[%arg0, %dma_wait3A_38, %dma_wait3A_39, %dma_wait3A_40, %dma_wait3A_41] : memref<2x16x125x1x40xi32, #tpu.memory_space<hbm>> -> memref<1x16x125x1x40xi32, #tpu.memory_space<hbm>>
      %dma_wait3A_43 = tpu.memref_squeeze %dma_wait3A_42 : memref<1x16x125x1x40xi32, #tpu.memory_space<hbm>> -> memref<16x125x1x40xi32, #tpu.memory_space<hbm>>
      %dma_wait3A_44 = arith.constant 0 : i32
      %dma_wait3A_45 = arith.constant 0 : i32
      %dma_wait3A_46 = arith.constant 0 : i32
      %dma_wait3A_47 = tpu.memref_slice %dma_wait3A_43[%arg1, %dma_wait3A_44, %dma_wait3A_45, %dma_wait3A_46] : memref<16x125x1x40xi32, #tpu.memory_space<hbm>> -> memref<1x125x1x40xi32, #tpu.memory_space<hbm>>
      %dma_wait3A_48 = tpu.memref_squeeze %dma_wait3A_47 : memref<1x125x1x40xi32, #tpu.memory_space<hbm>> -> memref<125x1x40xi32, #tpu.memory_space<hbm>>
      tpu.wait_dma2 semaphore(%run_scoped3A : memref<!tpu.dma_semaphore, #tpu.memory_space<semaphore_mem>>) src(%dma_wait3A_48 : memref<125x1x40xi32, #tpu.memory_space<hbm>>) dst(%arg6 : memref<125x1x40xi32, #tpu.memory_space<vmem>>)
      tpu.yield
    }) : () -> ()
    "tpu.region"() ({
      %run_scoped3A = tpu.sem_alloc : memref<!tpu.dma_semaphore, #tpu.memory_space<semaphore_mem>>
      tpu.enqueue_dma source(%arg3 : memref<40x128xf32, #tpu.memory_space<hbm>>) target(%arg7 : memref<40x128xf32, #tpu.memory_space<vmem>>) target_semaphore(%run_scoped3A : memref<!tpu.dma_semaphore, #tpu.memory_space<semaphore_mem>>)
      tpu.wait_dma2 semaphore(%run_scoped3A : memref<!tpu.dma_semaphore, #tpu.memory_space<semaphore_mem>>) src(%arg3 : memref<40x128xf32, #tpu.memory_space<hbm>>) dst(%arg7 : memref<40x128xf32, #tpu.memory_space<vmem>>)
      tpu.yield
    }) : () -> ()
    %mul3A = arith.constant 640 : i32
    %mul3A_0 = arith.muli %arg1, %mul3A : i32
    "tpu.region"() ({
      %run_scoped3A = tpu.sem_alloc : memref<!tpu.dma_semaphore, #tpu.memory_space<semaphore_mem>>
      %dma_start3A = arith.constant 0 : i32
      %dma_start3A_7 = tpu.memref_slice %arg8[%mul3A_0, %dma_start3A] : memref<10240x128xf32, #tpu.memory_space<vmem_shared>> -> memref<640x128xf32, #tpu.memory_space<vmem_shared>>
      %dma_start3A_8 = arith.constant 0 : i32
      %dma_start3A_9 = tpu.memref_slice %arg4[%mul3A_0, %dma_start3A_8] : memref<10240x128xf32, #tpu.memory_space<hbm>> -> memref<640x128xf32, #tpu.memory_space<hbm>>
      tpu.enqueue_dma source(%dma_start3A_9 : memref<640x128xf32, #tpu.memory_space<hbm>>) target(%dma_start3A_7 : memref<640x128xf32, #tpu.memory_space<vmem_shared>>) target_semaphore(%run_scoped3A : memref<!tpu.dma_semaphore, #tpu.memory_space<semaphore_mem>>)
      %dma_wait3A = arith.constant 0 : i32
      %dma_wait3A_10 = tpu.memref_slice %arg8[%mul3A_0, %dma_wait3A] : memref<10240x128xf32, #tpu.memory_space<vmem_shared>> -> memref<640x128xf32, #tpu.memory_space<vmem_shared>>
      %dma_wait3A_11 = arith.constant 0 : i32
      %dma_wait3A_12 = tpu.memref_slice %arg4[%mul3A_0, %dma_wait3A_11] : memref<10240x128xf32, #tpu.memory_space<hbm>> -> memref<640x128xf32, #tpu.memory_space<hbm>>
      tpu.wait_dma2 semaphore(%run_scoped3A : memref<!tpu.dma_semaphore, #tpu.memory_space<semaphore_mem>>) src(%dma_wait3A_12 : memref<640x128xf32, #tpu.memory_space<hbm>>) dst(%dma_wait3A_10 : memref<640x128xf32, #tpu.memory_space<vmem_shared>>)
      tpu.yield
    }) : () -> ()
    %barrier3A = arith.constant 0 : index
    tpu.barrier barrier_id(%barrier3A)
    %scan3A = arith.constant 0 : i32
    %scan3A_1 = arith.constant 0 : i32
    %scan3A_2 = arith.constant 125 : i32
    %scan3A_3 = arith.addi %scan3A_1, %scan3A_2 : i32
    %scan3A_4 = arith.constant 1 : i32
    scf.for %scan3A_7 = %scan3A_1 to %scan3A_3 step %scan3A_4  : i32 {
      %run_scoped3A = arith.constant 0 : i32
      "tpu.region"() ({
        %run_scoped3A_8 = tpu.sem_alloc : memref<!tpu.dma_semaphore, #tpu.memory_space<semaphore_mem>>
        %dma_start3A = arith.constant 0 : i32
        %dma_start3A_9 = tpu.memref_slice %arg6[%scan3A_7, %run_scoped3A, %dma_start3A] : memref<125x1x40xi32, #tpu.memory_space<vmem>> -> memref<1x1x40xi32, #tpu.memory_space<vmem>>
        %dma_start3A_10 = tpu.memref_squeeze %dma_start3A_9 : memref<1x1x40xi32, #tpu.memory_space<vmem>> -> memref<40xi32, #tpu.memory_space<vmem>>
        %dma_start3A_11 = arith.constant 0 : i32
        %dma_start3A_12 = arith.constant 0 : i32
        %dma_start3A_13 = tpu.memref_slice %arg8[%dma_start3A_11, %dma_start3A_12] : memref<10240x128xf32, #tpu.memory_space<vmem_shared>> -> memref<10240x128xf32, #tpu.memory_space<vmem_shared>>
        tpu.enqueue_indirect_dma source(%arg7 : memref<40x128xf32, #tpu.memory_space<vmem>>) target(%dma_start3A_13 : memref<10240x128xf32, #tpu.memory_space<vmem_shared>>) offsets(%dma_start3A_10 : memref<40xi32, #tpu.memory_space<vmem>>) semaphore(%run_scoped3A_8 : memref<!tpu.dma_semaphore, #tpu.memory_space<semaphore_mem>>) {add = true}
        %dma_wait3A = arith.constant 0 : i32
        %dma_wait3A_14 = tpu.memref_slice %arg6[%scan3A_7, %run_scoped3A, %dma_wait3A] : memref<125x1x40xi32, #tpu.memory_space<vmem>> -> memref<1x1x40xi32, #tpu.memory_space<vmem>>
        %dma_wait3A_15 = tpu.memref_squeeze %dma_wait3A_14 : memref<1x1x40xi32, #tpu.memory_space<vmem>> -> memref<40xi32, #tpu.memory_space<vmem>>
        %dma_wait3A_16 = arith.constant 0 : i32
        %dma_wait3A_17 = arith.constant 0 : i32
        %dma_wait3A_18 = tpu.memref_slice %arg8[%dma_wait3A_16, %dma_wait3A_17] : memref<10240x128xf32, #tpu.memory_space<vmem_shared>> -> memref<10240x128xf32, #tpu.memory_space<vmem_shared>>
        tpu.wait_indirect_dma semaphore(%run_scoped3A_8 : memref<!tpu.dma_semaphore, #tpu.memory_space<semaphore_mem>>) src(%arg7 : memref<40x128xf32, #tpu.memory_space<vmem>>) dst(%dma_wait3A_18 : memref<10240x128xf32, #tpu.memory_space<vmem_shared>>)
        tpu.yield
      }) : () -> ()
    }
    %scan3A_5 = arith.constant 125 : i32
    %barrier3A_6 = arith.constant 0 : index
    tpu.barrier barrier_id(%barrier3A_6)
    "tpu.region"() ({
      %run_scoped3A = tpu.sem_alloc : memref<!tpu.dma_semaphore, #tpu.memory_space<semaphore_mem>>
      %dma_start3A = arith.constant 0 : i32
      %dma_start3A_7 = arith.constant 0 : i32
      %dma_start3A_8 = tpu.memref_slice %arg5[%arg0, %dma_start3A, %dma_start3A_7] : memref<2x10240x128xf32, #tpu.memory_space<hbm>> -> memref<1x10240x128xf32, #tpu.memory_space<hbm>>
      %dma_start3A_9 = tpu.memref_squeeze %dma_start3A_8 : memref<1x10240x128xf32, #tpu.memory_space<hbm>> -> memref<10240x128xf32, #tpu.memory_space<hbm>>
      %dma_start3A_10 = arith.constant 0 : i32
      %dma_start3A_11 = tpu.memref_slice %dma_start3A_9[%mul3A_0, %dma_start3A_10] : memref<10240x128xf32, #tpu.memory_space<hbm>> -> memref<640x128xf32, #tpu.memory_space<hbm>>
      %dma_start3A_12 = arith.constant 0 : i32
      %dma_start3A_13 = tpu.memref_slice %arg8[%mul3A_0, %dma_start3A_12] : memref<10240x128xf32, #tpu.memory_space<vmem_shared>> -> memref<640x128xf32, #tpu.memory_space<vmem_shared>>
      tpu.enqueue_dma source(%dma_start3A_13 : memref<640x128xf32, #tpu.memory_space<vmem_shared>>) target(%dma_start3A_11 : memref<640x128xf32, #tpu.memory_space<hbm>>) target_semaphore(%run_scoped3A : memref<!tpu.dma_semaphore, #tpu.memory_space<semaphore_mem>>)
      %dma_wait3A = arith.constant 0 : i32
      %dma_wait3A_14 = arith.constant 0 : i32
      %dma_wait3A_15 = tpu.memref_slice %arg5[%arg0, %dma_wait3A, %dma_wait3A_14] : memref<2x10240x128xf32, #tpu.memory_space<hbm>> -> memref<1x10240x128xf32, #tpu.memory_space<hbm>>
      %dma_wait3A_16 = tpu.memref_squeeze %dma_wait3A_15 : memref<1x10240x128xf32, #tpu.memory_space<hbm>> -> memref<10240x128xf32, #tpu.memory_space<hbm>>
      %dma_wait3A_17 = arith.constant 0 : i32
      %dma_wait3A_18 = tpu.memref_slice %dma_wait3A_16[%mul3A_0, %dma_wait3A_17] : memref<10240x128xf32, #tpu.memory_space<hbm>> -> memref<640x128xf32, #tpu.memory_space<hbm>>
      %dma_wait3A_19 = arith.constant 0 : i32
      %dma_wait3A_20 = tpu.memref_slice %arg8[%mul3A_0, %dma_wait3A_19] : memref<10240x128xf32, #tpu.memory_space<vmem_shared>> -> memref<640x128xf32, #tpu.memory_space<vmem_shared>>
      tpu.wait_dma2 semaphore(%run_scoped3A : memref<!tpu.dma_semaphore, #tpu.memory_space<semaphore_mem>>) src(%dma_wait3A_20 : memref<640x128xf32, #tpu.memory_space<vmem_shared>>) dst(%dma_wait3A_18 : memref<640x128xf32, #tpu.memory_space<hbm>>)
      tpu.yield
    }) : () -> ()
    return
  }
}

#map = affine_map<(d0, d1) -> (0, 0)>
#map1 = affine_map<(d0, d1) -> (0, 0, 0, 0)>
#map2 = affine_map<(d0, d1) -> (0, 0, 0, 0, 0)>
#map3 = affine_map<(d0, d1) -> (0, 0, 0)>
module attributes {stable_mosaic.version = 14 : i64} {
  func.func @k(%arg0: i32, %arg1: i32, %arg2: memref<10240x128xf32, #tpu.memory_space<hbm>>, %arg3: memref<2x16x125x40xi32, #tpu.memory_space<hbm>>, %arg4: memref<2x16x125x1x40xi32, #tpu.memory_space<hbm>>, %arg5: memref<10240x128xf32, #tpu.memory_space<hbm>>, %arg6: memref<2x10240x128xf32, #tpu.memory_space<hbm>>, %arg7: memref<125x40xi32, #tpu.memory_space<vmem>>, %arg8: memref<125x1x40xi32, #tpu.memory_space<vmem>>, %arg9: memref<40x128xf32, #tpu.memory_space<vmem>>, %arg10: memref<10240x128xf32, #tpu.memory_space<vmem_shared>>, %arg11: memref<!tpu.dma_semaphore, #tpu.memory_space<semaphore_mem>>) attributes {dimension_semantics = [#tpu.dimension_semantics<core_parallel>, #tpu.dimension_semantics<subcore_parallel>], iteration_bounds = array<i64: 2, 16>, scalar_prefetch = 0 : i64, scratch_operands = 5 : i64, tpu.core_type = #tpu.core_type<sc_vector_subcore>, window_params = [{transform_indices = #map}, {transform_indices = #map1}, {transform_indices = #map2}, {transform_indices = #map}, {transform_indices = #map3}]} {
    "tpu.region"() ({
      %run_scoped3A = tpu.sem_alloc : memref<!tpu.dma_semaphore, #tpu.memory_space<semaphore_mem>>
      %dma_start3A = arith.constant 0 : i32
      %dma_start3A_7 = arith.constant 0 : i32
      %dma_start3A_8 = arith.constant 0 : i32
      %dma_start3A_9 = tpu.memref_slice %arg3[%arg0, %dma_start3A, %dma_start3A_7, %dma_start3A_8] : memref<2x16x125x40xi32, #tpu.memory_space<hbm>> -> memref<1x16x125x40xi32, #tpu.memory_space<hbm>>
      %dma_start3A_10 = tpu.memref_squeeze %dma_start3A_9 : memref<1x16x125x40xi32, #tpu.memory_space<hbm>> -> memref<16x125x40xi32, #tpu.memory_space<hbm>>
      %dma_start3A_11 = arith.constant 0 : i32
      %dma_start3A_12 = arith.constant 0 : i32
      %dma_start3A_13 = tpu.memref_slice %dma_start3A_10[%arg1, %dma_start3A_11, %dma_start3A_12] : memref<16x125x40xi32, #tpu.memory_space<hbm>> -> memref<1x125x40xi32, #tpu.memory_space<hbm>>
      %dma_start3A_14 = tpu.memref_squeeze %dma_start3A_13 : memref<1x125x40xi32, #tpu.memory_space<hbm>> -> memref<125x40xi32, #tpu.memory_space<hbm>>
      %dma_start3A_15 = arith.constant 0 : i32
      %dma_start3A_16 = arith.constant 0 : i32
      %dma_start3A_17 = arith.constant 0 : i32
      %dma_start3A_18 = tpu.memref_slice %arg3[%arg0, %dma_start3A_15, %dma_start3A_16, %dma_start3A_17] : memref<2x16x125x40xi32, #tpu.memory_space<hbm>> -> memref<1x16x125x40xi32, #tpu.memory_space<hbm>>
      %dma_start3A_19 = tpu.memref_squeeze %dma_start3A_18 : memref<1x16x125x40xi32, #tpu.memory_space<hbm>> -> memref<16x125x40xi32, #tpu.memory_space<hbm>>
      %dma_start3A_20 = arith.constant 0 : i32
      %dma_start3A_21 = arith.constant 0 : i32
      %dma_start3A_22 = tpu.memref_slice %dma_start3A_19[%arg1, %dma_start3A_20, %dma_start3A_21] : memref<16x125x40xi32, #tpu.memory_space<hbm>> -> memref<1x125x40xi32, #tpu.memory_space<hbm>>
      %dma_start3A_23 = tpu.memref_squeeze %dma_start3A_22 : memref<1x125x40xi32, #tpu.memory_space<hbm>> -> memref<125x40xi32, #tpu.memory_space<hbm>>
      tpu.enqueue_dma source(%dma_start3A_23 : memref<125x40xi32, #tpu.memory_space<hbm>>) target(%arg7 : memref<125x40xi32, #tpu.memory_space<vmem>>) target_semaphore(%run_scoped3A : memref<!tpu.dma_semaphore, #tpu.memory_space<semaphore_mem>>)
      %dma_wait3A = arith.constant 0 : i32
      %dma_wait3A_24 = arith.constant 0 : i32
      %dma_wait3A_25 = arith.constant 0 : i32
      %dma_wait3A_26 = tpu.memref_slice %arg3[%arg0, %dma_wait3A, %dma_wait3A_24, %dma_wait3A_25] : memref<2x16x125x40xi32, #tpu.memory_space<hbm>> -> memref<1x16x125x40xi32, #tpu.memory_space<hbm>>
      %dma_wait3A_27 = tpu.memref_squeeze %dma_wait3A_26 : memref<1x16x125x40xi32, #tpu.memory_space<hbm>> -> memref<16x125x40xi32, #tpu.memory_space<hbm>>
      %dma_wait3A_28 = arith.constant 0 : i32
      %dma_wait3A_29 = arith.constant 0 : i32
      %dma_wait3A_30 = tpu.memref_slice %dma_wait3A_27[%arg1, %dma_wait3A_28, %dma_wait3A_29] : memref<16x125x40xi32, #tpu.memory_space<hbm>> -> memref<1x125x40xi32, #tpu.memory_space<hbm>>
      %dma_wait3A_31 = tpu.memref_squeeze %dma_wait3A_30 : memref<1x125x40xi32, #tpu.memory_space<hbm>> -> memref<125x40xi32, #tpu.memory_space<hbm>>
      %dma_wait3A_32 = arith.constant 0 : i32
      %dma_wait3A_33 = arith.constant 0 : i32
      %dma_wait3A_34 = arith.constant 0 : i32
      %dma_wait3A_35 = tpu.memref_slice %arg3[%arg0, %dma_wait3A_32, %dma_wait3A_33, %dma_wait3A_34] : memref<2x16x125x40xi32, #tpu.memory_space<hbm>> -> memref<1x16x125x40xi32, #tpu.memory_space<hbm>>
      %dma_wait3A_36 = tpu.memref_squeeze %dma_wait3A_35 : memref<1x16x125x40xi32, #tpu.memory_space<hbm>> -> memref<16x125x40xi32, #tpu.memory_space<hbm>>
      %dma_wait3A_37 = arith.constant 0 : i32
      %dma_wait3A_38 = arith.constant 0 : i32
      %dma_wait3A_39 = tpu.memref_slice %dma_wait3A_36[%arg1, %dma_wait3A_37, %dma_wait3A_38] : memref<16x125x40xi32, #tpu.memory_space<hbm>> -> memref<1x125x40xi32, #tpu.memory_space<hbm>>
      %dma_wait3A_40 = tpu.memref_squeeze %dma_wait3A_39 : memref<1x125x40xi32, #tpu.memory_space<hbm>> -> memref<125x40xi32, #tpu.memory_space<hbm>>
      tpu.wait_dma2 semaphore(%run_scoped3A : memref<!tpu.dma_semaphore, #tpu.memory_space<semaphore_mem>>) src(%dma_wait3A_40 : memref<125x40xi32, #tpu.memory_space<hbm>>) dst(%arg7 : memref<125x40xi32, #tpu.memory_space<vmem>>)
      tpu.yield
    }) : () -> ()
    "tpu.region"() ({
      %run_scoped3A = tpu.sem_alloc : memref<!tpu.dma_semaphore, #tpu.memory_space<semaphore_mem>>
      %dma_start3A = arith.constant 0 : i32
      %dma_start3A_7 = arith.constant 0 : i32
      %dma_start3A_8 = arith.constant 0 : i32
      %dma_start3A_9 = arith.constant 0 : i32
      %dma_start3A_10 = tpu.memref_slice %arg4[%arg0, %dma_start3A, %dma_start3A_7, %dma_start3A_8, %dma_start3A_9] : memref<2x16x125x1x40xi32, #tpu.memory_space<hbm>> -> memref<1x16x125x1x40xi32, #tpu.memory_space<hbm>>
      %dma_start3A_11 = tpu.memref_squeeze %dma_start3A_10 : memref<1x16x125x1x40xi32, #tpu.memory_space<hbm>> -> memref<16x125x1x40xi32, #tpu.memory_space<hbm>>
      %dma_start3A_12 = arith.constant 0 : i32
      %dma_start3A_13 = arith.constant 0 : i32
      %dma_start3A_14 = arith.constant 0 : i32
      %dma_start3A_15 = tpu.memref_slice %dma_start3A_11[%arg1, %dma_start3A_12, %dma_start3A_13, %dma_start3A_14] : memref<16x125x1x40xi32, #tpu.memory_space<hbm>> -> memref<1x125x1x40xi32, #tpu.memory_space<hbm>>
      %dma_start3A_16 = tpu.memref_squeeze %dma_start3A_15 : memref<1x125x1x40xi32, #tpu.memory_space<hbm>> -> memref<125x1x40xi32, #tpu.memory_space<hbm>>
      %dma_start3A_17 = arith.constant 0 : i32
      %dma_start3A_18 = arith.constant 0 : i32
      %dma_start3A_19 = arith.constant 0 : i32
      %dma_start3A_20 = arith.constant 0 : i32
      %dma_start3A_21 = tpu.memref_slice %arg4[%arg0, %dma_start3A_17, %dma_start3A_18, %dma_start3A_19, %dma_start3A_20] : memref<2x16x125x1x40xi32, #tpu.memory_space<hbm>> -> memref<1x16x125x1x40xi32, #tpu.memory_space<hbm>>
      %dma_start3A_22 = tpu.memref_squeeze %dma_start3A_21 : memref<1x16x125x1x40xi32, #tpu.memory_space<hbm>> -> memref<16x125x1x40xi32, #tpu.memory_space<hbm>>
      %dma_start3A_23 = arith.constant 0 : i32
      %dma_start3A_24 = arith.constant 0 : i32
      %dma_start3A_25 = arith.constant 0 : i32
      %dma_start3A_26 = tpu.memref_slice %dma_start3A_22[%arg1, %dma_start3A_23, %dma_start3A_24, %dma_start3A_25] : memref<16x125x1x40xi32, #tpu.memory_space<hbm>> -> memref<1x125x1x40xi32, #tpu.memory_space<hbm>>
      %dma_start3A_27 = tpu.memref_squeeze %dma_start3A_26 : memref<1x125x1x40xi32, #tpu.memory_space<hbm>> -> memref<125x1x40xi32, #tpu.memory_space<hbm>>
      tpu.enqueue_dma source(%dma_start3A_27 : memref<125x1x40xi32, #tpu.memory_space<hbm>>) target(%arg8 : memref<125x1x40xi32, #tpu.memory_space<vmem>>) target_semaphore(%run_scoped3A : memref<!tpu.dma_semaphore, #tpu.memory_space<semaphore_mem>>)
      %dma_wait3A = arith.constant 0 : i32
      %dma_wait3A_28 = arith.constant 0 : i32
      %dma_wait3A_29 = arith.constant 0 : i32
      %dma_wait3A_30 = arith.constant 0 : i32
      %dma_wait3A_31 = tpu.memref_slice %arg4[%arg0, %dma_wait3A, %dma_wait3A_28, %dma_wait3A_29, %dma_wait3A_30] : memref<2x16x125x1x40xi32, #tpu.memory_space<hbm>> -> memref<1x16x125x1x40xi32, #tpu.memory_space<hbm>>
      %dma_wait3A_32 = tpu.memref_squeeze %dma_wait3A_31 : memref<1x16x125x1x40xi32, #tpu.memory_space<hbm>> -> memref<16x125x1x40xi32, #tpu.memory_space<hbm>>
      %dma_wait3A_33 = arith.constant 0 : i32
      %dma_wait3A_34 = arith.constant 0 : i32
      %dma_wait3A_35 = arith.constant 0 : i32
      %dma_wait3A_36 = tpu.memref_slice %dma_wait3A_32[%arg1, %dma_wait3A_33, %dma_wait3A_34, %dma_wait3A_35] : memref<16x125x1x40xi32, #tpu.memory_space<hbm>> -> memref<1x125x1x40xi32, #tpu.memory_space<hbm>>
      %dma_wait3A_37 = tpu.memref_squeeze %dma_wait3A_36 : memref<1x125x1x40xi32, #tpu.memory_space<hbm>> -> memref<125x1x40xi32, #tpu.memory_space<hbm>>
      %dma_wait3A_38 = arith.constant 0 : i32
      %dma_wait3A_39 = arith.constant 0 : i32
      %dma_wait3A_40 = arith.constant 0 : i32
      %dma_wait3A_41 = arith.constant 0 : i32
      %dma_wait3A_42 = tpu.memref_slice %arg4[%arg0, %dma_wait3A_38, %dma_wait3A_39, %dma_wait3A_40, %dma_wait3A_41] : memref<2x16x125x1x40xi32, #tpu.memory_space<hbm>> -> memref<1x16x125x1x40xi32, #tpu.memory_space<hbm>>
      %dma_wait3A_43 = tpu.memref_squeeze %dma_wait3A_42 : memref<1x16x125x1x40xi32, #tpu.memory_space<hbm>> -> memref<16x125x1x40xi32, #tpu.memory_space<hbm>>
      %dma_wait3A_44 = arith.constant 0 : i32
      %dma_wait3A_45 = arith.constant 0 : i32
      %dma_wait3A_46 = arith.constant 0 : i32
      %dma_wait3A_47 = tpu.memref_slice %dma_wait3A_43[%arg1, %dma_wait3A_44, %dma_wait3A_45, %dma_wait3A_46] : memref<16x125x1x40xi32, #tpu.memory_space<hbm>> -> memref<1x125x1x40xi32, #tpu.memory_space<hbm>>
      %dma_wait3A_48 = tpu.memref_squeeze %dma_wait3A_47 : memref<1x125x1x40xi32, #tpu.memory_space<hbm>> -> memref<125x1x40xi32, #tpu.memory_space<hbm>>
      tpu.wait_dma2 semaphore(%run_scoped3A : memref<!tpu.dma_semaphore, #tpu.memory_space<semaphore_mem>>) src(%dma_wait3A_48 : memref<125x1x40xi32, #tpu.memory_space<hbm>>) dst(%arg8 : memref<125x1x40xi32, #tpu.memory_space<vmem>>)
      tpu.yield
    }) : () -> ()
    %mul3A = arith.constant 640 : i32
    %mul3A_0 = arith.muli %arg1, %mul3A : i32
    "tpu.region"() ({
      %run_scoped3A = tpu.sem_alloc : memref<!tpu.dma_semaphore, #tpu.memory_space<semaphore_mem>>
      %dma_start3A = arith.constant 0 : i32
      %dma_start3A_7 = tpu.memref_slice %arg10[%mul3A_0, %dma_start3A] : memref<10240x128xf32, #tpu.memory_space<vmem_shared>> -> memref<640x128xf32, #tpu.memory_space<vmem_shared>>
      %dma_start3A_8 = arith.constant 0 : i32
      %dma_start3A_9 = tpu.memref_slice %arg5[%mul3A_0, %dma_start3A_8] : memref<10240x128xf32, #tpu.memory_space<hbm>> -> memref<640x128xf32, #tpu.memory_space<hbm>>
      tpu.enqueue_dma source(%dma_start3A_9 : memref<640x128xf32, #tpu.memory_space<hbm>>) target(%dma_start3A_7 : memref<640x128xf32, #tpu.memory_space<vmem_shared>>) target_semaphore(%run_scoped3A : memref<!tpu.dma_semaphore, #tpu.memory_space<semaphore_mem>>)
      %dma_wait3A = arith.constant 0 : i32
      %dma_wait3A_10 = tpu.memref_slice %arg10[%mul3A_0, %dma_wait3A] : memref<10240x128xf32, #tpu.memory_space<vmem_shared>> -> memref<640x128xf32, #tpu.memory_space<vmem_shared>>
      %dma_wait3A_11 = arith.constant 0 : i32
      %dma_wait3A_12 = tpu.memref_slice %arg5[%mul3A_0, %dma_wait3A_11] : memref<10240x128xf32, #tpu.memory_space<hbm>> -> memref<640x128xf32, #tpu.memory_space<hbm>>
      tpu.wait_dma2 semaphore(%run_scoped3A : memref<!tpu.dma_semaphore, #tpu.memory_space<semaphore_mem>>) src(%dma_wait3A_12 : memref<640x128xf32, #tpu.memory_space<hbm>>) dst(%dma_wait3A_10 : memref<640x128xf32, #tpu.memory_space<vmem_shared>>)
      tpu.yield
    }) : () -> ()
    %barrier3A = arith.constant 0 : index
    tpu.barrier barrier_id(%barrier3A)
    %scan3A = arith.constant 0 : i32
    %scan3A_1 = arith.constant 0 : i32
    %scan3A_2 = arith.constant 125 : i32
    %scan3A_3 = arith.addi %scan3A_1, %scan3A_2 : i32
    %scan3A_4 = arith.constant 1 : i32
    scf.for %scan3A_7 = %scan3A_1 to %scan3A_3 step %scan3A_4  : i32 {
      %dma_start3A = arith.constant 0 : i32
      %dma_start3A_8 = tpu.memref_slice %arg7[%scan3A_7, %dma_start3A] : memref<125x40xi32, #tpu.memory_space<vmem>> -> memref<1x40xi32, #tpu.memory_space<vmem>>
      %dma_start3A_9 = tpu.memref_squeeze %dma_start3A_8 : memref<1x40xi32, #tpu.memory_space<vmem>> -> memref<40xi32, #tpu.memory_space<vmem>>
      %dma_start3A_10 = arith.constant 0 : i32
      %dma_start3A_11 = arith.constant 0 : i32
      %dma_start3A_12 = tpu.memref_slice %arg2[%dma_start3A_10, %dma_start3A_11] : memref<10240x128xf32, #tpu.memory_space<hbm>> -> memref<10240x128xf32, #tpu.memory_space<hbm>>
      tpu.enqueue_indirect_dma source(%dma_start3A_12 : memref<10240x128xf32, #tpu.memory_space<hbm>>) target(%arg9 : memref<40x128xf32, #tpu.memory_space<vmem>>) offsets(%dma_start3A_9 : memref<40xi32, #tpu.memory_space<vmem>>) semaphore(%arg11 : memref<!tpu.dma_semaphore, #tpu.memory_space<semaphore_mem>>)
      %dma_wait3A = arith.constant 0 : i32
      %dma_wait3A_13 = tpu.memref_slice %arg7[%scan3A_7, %dma_wait3A] : memref<125x40xi32, #tpu.memory_space<vmem>> -> memref<1x40xi32, #tpu.memory_space<vmem>>
      %dma_wait3A_14 = tpu.memref_squeeze %dma_wait3A_13 : memref<1x40xi32, #tpu.memory_space<vmem>> -> memref<40xi32, #tpu.memory_space<vmem>>
      %dma_wait3A_15 = arith.constant 0 : i32
      %dma_wait3A_16 = arith.constant 0 : i32
      %dma_wait3A_17 = tpu.memref_slice %arg2[%dma_wait3A_15, %dma_wait3A_16] : memref<10240x128xf32, #tpu.memory_space<hbm>> -> memref<10240x128xf32, #tpu.memory_space<hbm>>
      tpu.wait_indirect_dma semaphore(%arg11 : memref<!tpu.dma_semaphore, #tpu.memory_space<semaphore_mem>>) src(%dma_wait3A_17 : memref<10240x128xf32, #tpu.memory_space<hbm>>) dst(%arg9 : memref<40x128xf32, #tpu.memory_space<vmem>>)
      %run_scoped3A = arith.constant 0 : i32
      "tpu.region"() ({
        %run_scoped3A_18 = tpu.sem_alloc : memref<!tpu.dma_semaphore, #tpu.memory_space<semaphore_mem>>
        %dma_start3A_19 = arith.constant 0 : i32
        %dma_start3A_20 = tpu.memref_slice %arg8[%scan3A_7, %run_scoped3A, %dma_start3A_19] : memref<125x1x40xi32, #tpu.memory_space<vmem>> -> memref<1x1x40xi32, #tpu.memory_space<vmem>>
        %dma_start3A_21 = tpu.memref_squeeze %dma_start3A_20 : memref<1x1x40xi32, #tpu.memory_space<vmem>> -> memref<40xi32, #tpu.memory_space<vmem>>
        %dma_start3A_22 = arith.constant 0 : i32
        %dma_start3A_23 = arith.constant 0 : i32
        %dma_start3A_24 = tpu.memref_slice %arg10[%dma_start3A_22, %dma_start3A_23] : memref<10240x128xf32, #tpu.memory_space<vmem_shared>> -> memref<10240x128xf32, #tpu.memory_space<vmem_shared>>
        tpu.enqueue_indirect_dma source(%arg9 : memref<40x128xf32, #tpu.memory_space<vmem>>) target(%dma_start3A_24 : memref<10240x128xf32, #tpu.memory_space<vmem_shared>>) offsets(%dma_start3A_21 : memref<40xi32, #tpu.memory_space<vmem>>) semaphore(%run_scoped3A_18 : memref<!tpu.dma_semaphore, #tpu.memory_space<semaphore_mem>>) {add = true}
        %dma_wait3A_25 = arith.constant 0 : i32
        %dma_wait3A_26 = tpu.memref_slice %arg8[%scan3A_7, %run_scoped3A, %dma_wait3A_25] : memref<125x1x40xi32, #tpu.memory_space<vmem>> -> memref<1x1x40xi32, #tpu.memory_space<vmem>>
        %dma_wait3A_27 = tpu.memref_squeeze %dma_wait3A_26 : memref<1x1x40xi32, #tpu.memory_space<vmem>> -> memref<40xi32, #tpu.memory_space<vmem>>
        %dma_wait3A_28 = arith.constant 0 : i32
        %dma_wait3A_29 = arith.constant 0 : i32
        %dma_wait3A_30 = tpu.memref_slice %arg10[%dma_wait3A_28, %dma_wait3A_29] : memref<10240x128xf32, #tpu.memory_space<vmem_shared>> -> memref<10240x128xf32, #tpu.memory_space<vmem_shared>>
        tpu.wait_indirect_dma semaphore(%run_scoped3A_18 : memref<!tpu.dma_semaphore, #tpu.memory_space<semaphore_mem>>) src(%arg9 : memref<40x128xf32, #tpu.memory_space<vmem>>) dst(%dma_wait3A_30 : memref<10240x128xf32, #tpu.memory_space<vmem_shared>>)
        tpu.yield
      }) : () -> ()
    }
    %scan3A_5 = arith.constant 125 : i32
    %barrier3A_6 = arith.constant 0 : index
    tpu.barrier barrier_id(%barrier3A_6)
    "tpu.region"() ({
      %run_scoped3A = tpu.sem_alloc : memref<!tpu.dma_semaphore, #tpu.memory_space<semaphore_mem>>
      %dma_start3A = arith.constant 0 : i32
      %dma_start3A_7 = arith.constant 0 : i32
      %dma_start3A_8 = tpu.memref_slice %arg6[%arg0, %dma_start3A, %dma_start3A_7] : memref<2x10240x128xf32, #tpu.memory_space<hbm>> -> memref<1x10240x128xf32, #tpu.memory_space<hbm>>
      %dma_start3A_9 = tpu.memref_squeeze %dma_start3A_8 : memref<1x10240x128xf32, #tpu.memory_space<hbm>> -> memref<10240x128xf32, #tpu.memory_space<hbm>>
      %dma_start3A_10 = arith.constant 0 : i32
      %dma_start3A_11 = tpu.memref_slice %dma_start3A_9[%mul3A_0, %dma_start3A_10] : memref<10240x128xf32, #tpu.memory_space<hbm>> -> memref<640x128xf32, #tpu.memory_space<hbm>>
      %dma_start3A_12 = arith.constant 0 : i32
      %dma_start3A_13 = tpu.memref_slice %arg10[%mul3A_0, %dma_start3A_12] : memref<10240x128xf32, #tpu.memory_space<vmem_shared>> -> memref<640x128xf32, #tpu.memory_space<vmem_shared>>
      tpu.enqueue_dma source(%dma_start3A_13 : memref<640x128xf32, #tpu.memory_space<vmem_shared>>) target(%dma_start3A_11 : memref<640x128xf32, #tpu.memory_space<hbm>>) target_semaphore(%run_scoped3A : memref<!tpu.dma_semaphore, #tpu.memory_space<semaphore_mem>>)
      %dma_wait3A = arith.constant 0 : i32
      %dma_wait3A_14 = arith.constant 0 : i32
      %dma_wait3A_15 = tpu.memref_slice %arg6[%arg0, %dma_wait3A, %dma_wait3A_14] : memref<2x10240x128xf32, #tpu.memory_space<hbm>> -> memref<1x10240x128xf32, #tpu.memory_space<hbm>>
      %dma_wait3A_16 = tpu.memref_squeeze %dma_wait3A_15 : memref<1x10240x128xf32, #tpu.memory_space<hbm>> -> memref<10240x128xf32, #tpu.memory_space<hbm>>
      %dma_wait3A_17 = arith.constant 0 : i32
      %dma_wait3A_18 = tpu.memref_slice %dma_wait3A_16[%mul3A_0, %dma_wait3A_17] : memref<10240x128xf32, #tpu.memory_space<hbm>> -> memref<640x128xf32, #tpu.memory_space<hbm>>
      %dma_wait3A_19 = arith.constant 0 : i32
      %dma_wait3A_20 = tpu.memref_slice %arg10[%mul3A_0, %dma_wait3A_19] : memref<10240x128xf32, #tpu.memory_space<vmem_shared>> -> memref<640x128xf32, #tpu.memory_space<vmem_shared>>
      tpu.wait_dma2 semaphore(%run_scoped3A : memref<!tpu.dma_semaphore, #tpu.memory_space<semaphore_mem>>) src(%dma_wait3A_20 : memref<640x128xf32, #tpu.memory_space<vmem_shared>>) dst(%dma_wait3A_18 : memref<640x128xf32, #tpu.memory_space<hbm>>)
      tpu.yield
    }) : () -> ()
    return
  }
}

#map = affine_map<(d0, d1) -> (0, 0, 0)>
#map1 = affine_map<(d0, d1) -> (0, 0, 0, 0)>
#map2 = affine_map<(d0, d1) -> (0, 0)>
module attributes {stable_mosaic.version = 14 : i64} {
  func.func @k(%arg0: i32, %arg1: i32, %arg2: memref<4x10240x128xf32, #tpu.memory_space<hbm>>, %arg3: memref<16x125x80xi32, #tpu.memory_space<hbm>>, %arg4: memref<16x125x1x80xi32, #tpu.memory_space<hbm>>, %arg5: memref<10240x128xf32, #tpu.memory_space<hbm>>, %arg6: memref<4x10240x128xf32, #tpu.memory_space<hbm>>, %arg7: memref<125x80xi32, #tpu.memory_space<vmem>>, %arg8: memref<125x1x80xi32, #tpu.memory_space<vmem>>, %arg9: memref<80x128xf32, #tpu.memory_space<vmem>>, %arg10: memref<10240x128xf32, #tpu.memory_space<vmem_shared>>, %arg11: memref<!tpu.dma_semaphore, #tpu.memory_space<semaphore_mem>>) attributes {dimension_semantics = [#tpu.dimension_semantics<core_parallel>, #tpu.dimension_semantics<subcore_parallel>], iteration_bounds = array<i64: 2, 16>, scalar_prefetch = 0 : i64, scratch_operands = 5 : i64, tpu.core_type = #tpu.core_type<sc_vector_subcore>, window_params = [{transform_indices = #map}, {transform_indices = #map}, {transform_indices = #map1}, {transform_indices = #map2}, {transform_indices = #map}]} {
    "tpu.region"() ({
      %run_scoped3A = tpu.sem_alloc : memref<!tpu.dma_semaphore, #tpu.memory_space<semaphore_mem>>
      %dma_start3A = arith.constant 0 : i32
      %dma_start3A_22 = arith.constant 0 : i32
      %dma_start3A_23 = tpu.memref_slice %arg3[%arg1, %dma_start3A, %dma_start3A_22] : memref<16x125x80xi32, #tpu.memory_space<hbm>> -> memref<1x125x80xi32, #tpu.memory_space<hbm>>
      %dma_start3A_24 = tpu.memref_squeeze %dma_start3A_23 : memref<1x125x80xi32, #tpu.memory_space<hbm>> -> memref<125x80xi32, #tpu.memory_space<hbm>>
      %dma_start3A_25 = arith.constant 0 : i32
      %dma_start3A_26 = arith.constant 0 : i32
      %dma_start3A_27 = tpu.memref_slice %arg3[%arg1, %dma_start3A_25, %dma_start3A_26] : memref<16x125x80xi32, #tpu.memory_space<hbm>> -> memref<1x125x80xi32, #tpu.memory_space<hbm>>
      %dma_start3A_28 = tpu.memref_squeeze %dma_start3A_27 : memref<1x125x80xi32, #tpu.memory_space<hbm>> -> memref<125x80xi32, #tpu.memory_space<hbm>>
      tpu.enqueue_dma source(%dma_start3A_28 : memref<125x80xi32, #tpu.memory_space<hbm>>) target(%arg7 : memref<125x80xi32, #tpu.memory_space<vmem>>) target_semaphore(%run_scoped3A : memref<!tpu.dma_semaphore, #tpu.memory_space<semaphore_mem>>)
      %dma_wait3A = arith.constant 0 : i32
      %dma_wait3A_29 = arith.constant 0 : i32
      %dma_wait3A_30 = tpu.memref_slice %arg3[%arg1, %dma_wait3A, %dma_wait3A_29] : memref<16x125x80xi32, #tpu.memory_space<hbm>> -> memref<1x125x80xi32, #tpu.memory_space<hbm>>
      %dma_wait3A_31 = tpu.memref_squeeze %dma_wait3A_30 : memref<1x125x80xi32, #tpu.memory_space<hbm>> -> memref<125x80xi32, #tpu.memory_space<hbm>>
      %dma_wait3A_32 = arith.constant 0 : i32
      %dma_wait3A_33 = arith.constant 0 : i32
      %dma_wait3A_34 = tpu.memref_slice %arg3[%arg1, %dma_wait3A_32, %dma_wait3A_33] : memref<16x125x80xi32, #tpu.memory_space<hbm>> -> memref<1x125x80xi32, #tpu.memory_space<hbm>>
      %dma_wait3A_35 = tpu.memref_squeeze %dma_wait3A_34 : memref<1x125x80xi32, #tpu.memory_space<hbm>> -> memref<125x80xi32, #tpu.memory_space<hbm>>
      tpu.wait_dma2 semaphore(%run_scoped3A : memref<!tpu.dma_semaphore, #tpu.memory_space<semaphore_mem>>) src(%dma_wait3A_35 : memref<125x80xi32, #tpu.memory_space<hbm>>) dst(%arg7 : memref<125x80xi32, #tpu.memory_space<vmem>>)
      tpu.yield
    }) : () -> ()
    "tpu.region"() ({
      %run_scoped3A = tpu.sem_alloc : memref<!tpu.dma_semaphore, #tpu.memory_space<semaphore_mem>>
      %dma_start3A = arith.constant 0 : i32
      %dma_start3A_22 = arith.constant 0 : i32
      %dma_start3A_23 = arith.constant 0 : i32
      %dma_start3A_24 = tpu.memref_slice %arg4[%arg1, %dma_start3A, %dma_start3A_22, %dma_start3A_23] : memref<16x125x1x80xi32, #tpu.memory_space<hbm>> -> memref<1x125x1x80xi32, #tpu.memory_space<hbm>>
      %dma_start3A_25 = tpu.memref_squeeze %dma_start3A_24 : memref<1x125x1x80xi32, #tpu.memory_space<hbm>> -> memref<125x1x80xi32, #tpu.memory_space<hbm>>
      %dma_start3A_26 = arith.constant 0 : i32
      %dma_start3A_27 = arith.constant 0 : i32
      %dma_start3A_28 = arith.constant 0 : i32
      %dma_start3A_29 = tpu.memref_slice %arg4[%arg1, %dma_start3A_26, %dma_start3A_27, %dma_start3A_28] : memref<16x125x1x80xi32, #tpu.memory_space<hbm>> -> memref<1x125x1x80xi32, #tpu.memory_space<hbm>>
      %dma_start3A_30 = tpu.memref_squeeze %dma_start3A_29 : memref<1x125x1x80xi32, #tpu.memory_space<hbm>> -> memref<125x1x80xi32, #tpu.memory_space<hbm>>
      tpu.enqueue_dma source(%dma_start3A_30 : memref<125x1x80xi32, #tpu.memory_space<hbm>>) target(%arg8 : memref<125x1x80xi32, #tpu.memory_space<vmem>>) target_semaphore(%run_scoped3A : memref<!tpu.dma_semaphore, #tpu.memory_space<semaphore_mem>>)
      %dma_wait3A = arith.constant 0 : i32
      %dma_wait3A_31 = arith.constant 0 : i32
      %dma_wait3A_32 = arith.constant 0 : i32
      %dma_wait3A_33 = tpu.memref_slice %arg4[%arg1, %dma_wait3A, %dma_wait3A_31, %dma_wait3A_32] : memref<16x125x1x80xi32, #tpu.memory_space<hbm>> -> memref<1x125x1x80xi32, #tpu.memory_space<hbm>>
      %dma_wait3A_34 = tpu.memref_squeeze %dma_wait3A_33 : memref<1x125x1x80xi32, #tpu.memory_space<hbm>> -> memref<125x1x80xi32, #tpu.memory_space<hbm>>
      %dma_wait3A_35 = arith.constant 0 : i32
      %dma_wait3A_36 = arith.constant 0 : i32
      %dma_wait3A_37 = arith.constant 0 : i32
      %dma_wait3A_38 = tpu.memref_slice %arg4[%arg1, %dma_wait3A_35, %dma_wait3A_36, %dma_wait3A_37] : memref<16x125x1x80xi32, #tpu.memory_space<hbm>> -> memref<1x125x1x80xi32, #tpu.memory_space<hbm>>
      %dma_wait3A_39 = tpu.memref_squeeze %dma_wait3A_38 : memref<1x125x1x80xi32, #tpu.memory_space<hbm>> -> memref<125x1x80xi32, #tpu.memory_space<hbm>>
      tpu.wait_dma2 semaphore(%run_scoped3A : memref<!tpu.dma_semaphore, #tpu.memory_space<semaphore_mem>>) src(%dma_wait3A_39 : memref<125x1x80xi32, #tpu.memory_space<hbm>>) dst(%arg8 : memref<125x1x80xi32, #tpu.memory_space<vmem>>)
      tpu.yield
    }) : () -> ()
    %mul3A = arith.constant 640 : i32
    %mul3A_0 = arith.muli %arg1, %mul3A : i32
    %mul3A_1 = arith.constant 2 : i32
    %mul3A_2 = arith.muli %arg0, %mul3A_1 : i32
    %add3A = arith.constant 0 : i32
    %add3A_3 = arith.addi %mul3A_2, %add3A : i32
    "tpu.region"() ({
      %run_scoped3A = tpu.sem_alloc : memref<!tpu.dma_semaphore, #tpu.memory_space<semaphore_mem>>
      %dma_start3A = arith.constant 0 : i32
      %dma_start3A_22 = tpu.memref_slice %arg10[%mul3A_0, %dma_start3A] : memref<10240x128xf32, #tpu.memory_space<vmem_shared>> -> memref<640x128xf32, #tpu.memory_space<vmem_shared>>
      %dma_start3A_23 = arith.constant 0 : i32
      %dma_start3A_24 = tpu.memref_slice %arg5[%mul3A_0, %dma_start3A_23] : memref<10240x128xf32, #tpu.memory_space<hbm>> -> memref<640x128xf32, #tpu.memory_space<hbm>>
      tpu.enqueue_dma source(%dma_start3A_24 : memref<640x128xf32, #tpu.memory_space<hbm>>) target(%dma_start3A_22 : memref<640x128xf32, #tpu.memory_space<vmem_shared>>) target_semaphore(%run_scoped3A : memref<!tpu.dma_semaphore, #tpu.memory_space<semaphore_mem>>)
      %dma_wait3A = arith.constant 0 : i32
      %dma_wait3A_25 = tpu.memref_slice %arg10[%mul3A_0, %dma_wait3A] : memref<10240x128xf32, #tpu.memory_space<vmem_shared>> -> memref<640x128xf32, #tpu.memory_space<vmem_shared>>
      %dma_wait3A_26 = arith.constant 0 : i32
      %dma_wait3A_27 = tpu.memref_slice %arg5[%mul3A_0, %dma_wait3A_26] : memref<10240x128xf32, #tpu.memory_space<hbm>> -> memref<640x128xf32, #tpu.memory_space<hbm>>
      tpu.wait_dma2 semaphore(%run_scoped3A : memref<!tpu.dma_semaphore, #tpu.memory_space<semaphore_mem>>) src(%dma_wait3A_27 : memref<640x128xf32, #tpu.memory_space<hbm>>) dst(%dma_wait3A_25 : memref<640x128xf32, #tpu.memory_space<vmem_shared>>)
      tpu.yield
    }) : () -> ()
    %barrier3A = arith.constant 0 : index
    tpu.barrier barrier_id(%barrier3A)
    %scan3A = arith.constant 0 : i32
    %scan3A_4 = arith.constant 0 : i32
    %scan3A_5 = arith.constant 125 : i32
    %scan3A_6 = arith.addi %scan3A_4, %scan3A_5 : i32
    %scan3A_7 = arith.constant 1 : i32
    scf.for %scan3A_22 = %scan3A_4 to %scan3A_6 step %scan3A_7  : i32 {
      %dma_start3A = arith.constant 0 : i32
      %dma_start3A_23 = tpu.memref_slice %arg7[%scan3A_22, %dma_start3A] : memref<125x80xi32, #tpu.memory_space<vmem>> -> memref<1x80xi32, #tpu.memory_space<vmem>>
      %dma_start3A_24 = tpu.memref_squeeze %dma_start3A_23 : memref<1x80xi32, #tpu.memory_space<vmem>> -> memref<80xi32, #tpu.memory_space<vmem>>
      %dma_start3A_25 = arith.constant 0 : i32
      %dma_start3A_26 = arith.constant 0 : i32
      %dma_start3A_27 = tpu.memref_slice %arg2[%add3A_3, %dma_start3A_25, %dma_start3A_26] : memref<4x10240x128xf32, #tpu.memory_space<hbm>> -> memref<1x10240x128xf32, #tpu.memory_space<hbm>>
      %dma_start3A_28 = tpu.memref_squeeze %dma_start3A_27 : memref<1x10240x128xf32, #tpu.memory_space<hbm>> -> memref<10240x128xf32, #tpu.memory_space<hbm>>
      %dma_start3A_29 = arith.constant 0 : i32
      %dma_start3A_30 = arith.constant 0 : i32
      %dma_start3A_31 = tpu.memref_slice %dma_start3A_28[%dma_start3A_29, %dma_start3A_30] : memref<10240x128xf32, #tpu.memory_space<hbm>> -> memref<10240x128xf32, #tpu.memory_space<hbm>>
      tpu.enqueue_indirect_dma source(%dma_start3A_31 : memref<10240x128xf32, #tpu.memory_space<hbm>>) target(%arg9 : memref<80x128xf32, #tpu.memory_space<vmem>>) offsets(%dma_start3A_24 : memref<80xi32, #tpu.memory_space<vmem>>) semaphore(%arg11 : memref<!tpu.dma_semaphore, #tpu.memory_space<semaphore_mem>>)
      %dma_wait3A = arith.constant 0 : i32
      %dma_wait3A_32 = tpu.memref_slice %arg7[%scan3A_22, %dma_wait3A] : memref<125x80xi32, #tpu.memory_space<vmem>> -> memref<1x80xi32, #tpu.memory_space<vmem>>
      %dma_wait3A_33 = tpu.memref_squeeze %dma_wait3A_32 : memref<1x80xi32, #tpu.memory_space<vmem>> -> memref<80xi32, #tpu.memory_space<vmem>>
      %dma_wait3A_34 = arith.constant 0 : i32
      %dma_wait3A_35 = arith.constant 0 : i32
      %dma_wait3A_36 = tpu.memref_slice %arg2[%add3A_3, %dma_wait3A_34, %dma_wait3A_35] : memref<4x10240x128xf32, #tpu.memory_space<hbm>> -> memref<1x10240x128xf32, #tpu.memory_space<hbm>>
      %dma_wait3A_37 = tpu.memref_squeeze %dma_wait3A_36 : memref<1x10240x128xf32, #tpu.memory_space<hbm>> -> memref<10240x128xf32, #tpu.memory_space<hbm>>
      %dma_wait3A_38 = arith.constant 0 : i32
      %dma_wait3A_39 = arith.constant 0 : i32
      %dma_wait3A_40 = tpu.memref_slice %dma_wait3A_37[%dma_wait3A_38, %dma_wait3A_39] : memref<10240x128xf32, #tpu.memory_space<hbm>> -> memref<10240x128xf32, #tpu.memory_space<hbm>>
      tpu.wait_indirect_dma semaphore(%arg11 : memref<!tpu.dma_semaphore, #tpu.memory_space<semaphore_mem>>) src(%dma_wait3A_40 : memref<10240x128xf32, #tpu.memory_space<hbm>>) dst(%arg9 : memref<80x128xf32, #tpu.memory_space<vmem>>)
      %run_scoped3A = arith.constant 0 : i32
      "tpu.region"() ({
        %run_scoped3A_41 = tpu.sem_alloc : memref<!tpu.dma_semaphore, #tpu.memory_space<semaphore_mem>>
        %dma_start3A_42 = arith.constant 0 : i32
        %dma_start3A_43 = tpu.memref_slice %arg8[%scan3A_22, %run_scoped3A, %dma_start3A_42] : memref<125x1x80xi32, #tpu.memory_space<vmem>> -> memref<1x1x80xi32, #tpu.memory_space<vmem>>
        %dma_start3A_44 = tpu.memref_squeeze %dma_start3A_43 : memref<1x1x80xi32, #tpu.memory_space<vmem>> -> memref<80xi32, #tpu.memory_space<vmem>>
        %dma_start3A_45 = arith.constant 0 : i32
        %dma_start3A_46 = arith.constant 0 : i32
        %dma_start3A_47 = tpu.memref_slice %arg10[%dma_start3A_45, %dma_start3A_46] : memref<10240x128xf32, #tpu.memory_space<vmem_shared>> -> memref<10240x128xf32, #tpu.memory_space<vmem_shared>>
        tpu.enqueue_indirect_dma source(%arg9 : memref<80x128xf32, #tpu.memory_space<vmem>>) target(%dma_start3A_47 : memref<10240x128xf32, #tpu.memory_space<vmem_shared>>) offsets(%dma_start3A_44 : memref<80xi32, #tpu.memory_space<vmem>>) semaphore(%run_scoped3A_41 : memref<!tpu.dma_semaphore, #tpu.memory_space<semaphore_mem>>) {add = true}
        %dma_wait3A_48 = arith.constant 0 : i32
        %dma_wait3A_49 = tpu.memref_slice %arg8[%scan3A_22, %run_scoped3A, %dma_wait3A_48] : memref<125x1x80xi32, #tpu.memory_space<vmem>> -> memref<1x1x80xi32, #tpu.memory_space<vmem>>
        %dma_wait3A_50 = tpu.memref_squeeze %dma_wait3A_49 : memref<1x1x80xi32, #tpu.memory_space<vmem>> -> memref<80xi32, #tpu.memory_space<vmem>>
        %dma_wait3A_51 = arith.constant 0 : i32
        %dma_wait3A_52 = arith.constant 0 : i32
        %dma_wait3A_53 = tpu.memref_slice %arg10[%dma_wait3A_51, %dma_wait3A_52] : memref<10240x128xf32, #tpu.memory_space<vmem_shared>> -> memref<10240x128xf32, #tpu.memory_space<vmem_shared>>
        tpu.wait_indirect_dma semaphore(%run_scoped3A_41 : memref<!tpu.dma_semaphore, #tpu.memory_space<semaphore_mem>>) src(%arg9 : memref<80x128xf32, #tpu.memory_space<vmem>>) dst(%dma_wait3A_53 : memref<10240x128xf32, #tpu.memory_space<vmem_shared>>)
        tpu.yield
      }) : () -> ()
    }
    %scan3A_8 = arith.constant 125 : i32
    %barrier3A_9 = arith.constant 0 : index
    tpu.barrier barrier_id(%barrier3A_9)
    "tpu.region"() ({
      %run_scoped3A = tpu.sem_alloc : memref<!tpu.dma_semaphore, #tpu.memory_space<semaphore_mem>>
      %dma_start3A = arith.constant 0 : i32
      %dma_start3A_22 = arith.constant 0 : i32
      %dma_start3A_23 = tpu.memref_slice %arg6[%add3A_3, %dma_start3A, %dma_start3A_22] : memref<4x10240x128xf32, #tpu.memory_space<hbm>> -> memref<1x10240x128xf32, #tpu.memory_space<hbm>>
      %dma_start3A_24 = tpu.memref_squeeze %dma_start3A_23 : memref<1x10240x128xf32, #tpu.memory_space<hbm>> -> memref<10240x128xf32, #tpu.memory_space<hbm>>
      %dma_start3A_25 = arith.constant 0 : i32
      %dma_start3A_26 = tpu.memref_slice %dma_start3A_24[%mul3A_0, %dma_start3A_25] : memref<10240x128xf32, #tpu.memory_space<hbm>> -> memref<640x128xf32, #tpu.memory_space<hbm>>
      %dma_start3A_27 = arith.constant 0 : i32
      %dma_start3A_28 = tpu.memref_slice %arg10[%mul3A_0, %dma_start3A_27] : memref<10240x128xf32, #tpu.memory_space<vmem_shared>> -> memref<640x128xf32, #tpu.memory_space<vmem_shared>>
      tpu.enqueue_dma source(%dma_start3A_28 : memref<640x128xf32, #tpu.memory_space<vmem_shared>>) target(%dma_start3A_26 : memref<640x128xf32, #tpu.memory_space<hbm>>) target_semaphore(%run_scoped3A : memref<!tpu.dma_semaphore, #tpu.memory_space<semaphore_mem>>)
      %dma_wait3A = arith.constant 0 : i32
      %dma_wait3A_29 = arith.constant 0 : i32
      %dma_wait3A_30 = tpu.memref_slice %arg6[%add3A_3, %dma_wait3A, %dma_wait3A_29] : memref<4x10240x128xf32, #tpu.memory_space<hbm>> -> memref<1x10240x128xf32, #tpu.memory_space<hbm>>
      %dma_wait3A_31 = tpu.memref_squeeze %dma_wait3A_30 : memref<1x10240x128xf32, #tpu.memory_space<hbm>> -> memref<10240x128xf32, #tpu.memory_space<hbm>>
      %dma_wait3A_32 = arith.constant 0 : i32
      %dma_wait3A_33 = tpu.memref_slice %dma_wait3A_31[%mul3A_0, %dma_wait3A_32] : memref<10240x128xf32, #tpu.memory_space<hbm>> -> memref<640x128xf32, #tpu.memory_space<hbm>>
      %dma_wait3A_34 = arith.constant 0 : i32
      %dma_wait3A_35 = tpu.memref_slice %arg10[%mul3A_0, %dma_wait3A_34] : memref<10240x128xf32, #tpu.memory_space<vmem_shared>> -> memref<640x128xf32, #tpu.memory_space<vmem_shared>>
      tpu.wait_dma2 semaphore(%run_scoped3A : memref<!tpu.dma_semaphore, #tpu.memory_space<semaphore_mem>>) src(%dma_wait3A_35 : memref<640x128xf32, #tpu.memory_space<vmem_shared>>) dst(%dma_wait3A_33 : memref<640x128xf32, #tpu.memory_space<hbm>>)
      tpu.yield
    }) : () -> ()
    %mul3A_10 = arith.constant 2 : i32
    %mul3A_11 = arith.muli %arg0, %mul3A_10 : i32
    %add3A_12 = arith.constant 1 : i32
    %add3A_13 = arith.addi %mul3A_11, %add3A_12 : i32
    "tpu.region"() ({
      %run_scoped3A = tpu.sem_alloc : memref<!tpu.dma_semaphore, #tpu.memory_space<semaphore_mem>>
      %dma_start3A = arith.constant 0 : i32
      %dma_start3A_22 = tpu.memref_slice %arg10[%mul3A_0, %dma_start3A] : memref<10240x128xf32, #tpu.memory_space<vmem_shared>> -> memref<640x128xf32, #tpu.memory_space<vmem_shared>>
      %dma_start3A_23 = arith.constant 0 : i32
      %dma_start3A_24 = tpu.memref_slice %arg5[%mul3A_0, %dma_start3A_23] : memref<10240x128xf32, #tpu.memory_space<hbm>> -> memref<640x128xf32, #tpu.memory_space<hbm>>
      tpu.enqueue_dma source(%dma_start3A_24 : memref<640x128xf32, #tpu.memory_space<hbm>>) target(%dma_start3A_22 : memref<640x128xf32, #tpu.memory_space<vmem_shared>>) target_semaphore(%run_scoped3A : memref<!tpu.dma_semaphore, #tpu.memory_space<semaphore_mem>>)
      %dma_wait3A = arith.constant 0 : i32
      %dma_wait3A_25 = tpu.memref_slice %arg10[%mul3A_0, %dma_wait3A] : memref<10240x128xf32, #tpu.memory_space<vmem_shared>> -> memref<640x128xf32, #tpu.memory_space<vmem_shared>>
      %dma_wait3A_26 = arith.constant 0 : i32
      %dma_wait3A_27 = tpu.memref_slice %arg5[%mul3A_0, %dma_wait3A_26] : memref<10240x128xf32, #tpu.memory_space<hbm>> -> memref<640x128xf32, #tpu.memory_space<hbm>>
      tpu.wait_dma2 semaphore(%run_scoped3A : memref<!tpu.dma_semaphore, #tpu.memory_space<semaphore_mem>>) src(%dma_wait3A_27 : memref<640x128xf32, #tpu.memory_space<hbm>>) dst(%dma_wait3A_25 : memref<640x128xf32, #tpu.memory_space<vmem_shared>>)
      tpu.yield
    }) : () -> ()
    %barrier3A_14 = arith.constant 0 : index
    tpu.barrier barrier_id(%barrier3A_14)
    %scan3A_15 = arith.constant 0 : i32
    %scan3A_16 = arith.constant 0 : i32
    %scan3A_17 = arith.constant 125 : i32
    %scan3A_18 = arith.addi %scan3A_16, %scan3A_17 : i32
    %scan3A_19 = arith.constant 1 : i32
    scf.for %scan3A_22 = %scan3A_16 to %scan3A_18 step %scan3A_19  : i32 {
      %dma_start3A = arith.constant 0 : i32
      %dma_start3A_23 = tpu.memref_slice %arg7[%scan3A_22, %dma_start3A] : memref<125x80xi32, #tpu.memory_space<vmem>> -> memref<1x80xi32, #tpu.memory_space<vmem>>
      %dma_start3A_24 = tpu.memref_squeeze %dma_start3A_23 : memref<1x80xi32, #tpu.memory_space<vmem>> -> memref<80xi32, #tpu.memory_space<vmem>>
      %dma_start3A_25 = arith.constant 0 : i32
      %dma_start3A_26 = arith.constant 0 : i32
      %dma_start3A_27 = tpu.memref_slice %arg2[%add3A_13, %dma_start3A_25, %dma_start3A_26] : memref<4x10240x128xf32, #tpu.memory_space<hbm>> -> memref<1x10240x128xf32, #tpu.memory_space<hbm>>
      %dma_start3A_28 = tpu.memref_squeeze %dma_start3A_27 : memref<1x10240x128xf32, #tpu.memory_space<hbm>> -> memref<10240x128xf32, #tpu.memory_space<hbm>>
      %dma_start3A_29 = arith.constant 0 : i32
      %dma_start3A_30 = arith.constant 0 : i32
      %dma_start3A_31 = tpu.memref_slice %dma_start3A_28[%dma_start3A_29, %dma_start3A_30] : memref<10240x128xf32, #tpu.memory_space<hbm>> -> memref<10240x128xf32, #tpu.memory_space<hbm>>
      tpu.enqueue_indirect_dma source(%dma_start3A_31 : memref<10240x128xf32, #tpu.memory_space<hbm>>) target(%arg9 : memref<80x128xf32, #tpu.memory_space<vmem>>) offsets(%dma_start3A_24 : memref<80xi32, #tpu.memory_space<vmem>>) semaphore(%arg11 : memref<!tpu.dma_semaphore, #tpu.memory_space<semaphore_mem>>)
      %dma_wait3A = arith.constant 0 : i32
      %dma_wait3A_32 = tpu.memref_slice %arg7[%scan3A_22, %dma_wait3A] : memref<125x80xi32, #tpu.memory_space<vmem>> -> memref<1x80xi32, #tpu.memory_space<vmem>>
      %dma_wait3A_33 = tpu.memref_squeeze %dma_wait3A_32 : memref<1x80xi32, #tpu.memory_space<vmem>> -> memref<80xi32, #tpu.memory_space<vmem>>
      %dma_wait3A_34 = arith.constant 0 : i32
      %dma_wait3A_35 = arith.constant 0 : i32
      %dma_wait3A_36 = tpu.memref_slice %arg2[%add3A_13, %dma_wait3A_34, %dma_wait3A_35] : memref<4x10240x128xf32, #tpu.memory_space<hbm>> -> memref<1x10240x128xf32, #tpu.memory_space<hbm>>
      %dma_wait3A_37 = tpu.memref_squeeze %dma_wait3A_36 : memref<1x10240x128xf32, #tpu.memory_space<hbm>> -> memref<10240x128xf32, #tpu.memory_space<hbm>>
      %dma_wait3A_38 = arith.constant 0 : i32
      %dma_wait3A_39 = arith.constant 0 : i32
      %dma_wait3A_40 = tpu.memref_slice %dma_wait3A_37[%dma_wait3A_38, %dma_wait3A_39] : memref<10240x128xf32, #tpu.memory_space<hbm>> -> memref<10240x128xf32, #tpu.memory_space<hbm>>
      tpu.wait_indirect_dma semaphore(%arg11 : memref<!tpu.dma_semaphore, #tpu.memory_space<semaphore_mem>>) src(%dma_wait3A_40 : memref<10240x128xf32, #tpu.memory_space<hbm>>) dst(%arg9 : memref<80x128xf32, #tpu.memory_space<vmem>>)
      %run_scoped3A = arith.constant 0 : i32
      "tpu.region"() ({
        %run_scoped3A_41 = tpu.sem_alloc : memref<!tpu.dma_semaphore, #tpu.memory_space<semaphore_mem>>
        %dma_start3A_42 = arith.constant 0 : i32
        %dma_start3A_43 = tpu.memref_slice %arg8[%scan3A_22, %run_scoped3A, %dma_start3A_42] : memref<125x1x80xi32, #tpu.memory_space<vmem>> -> memref<1x1x80xi32, #tpu.memory_space<vmem>>
        %dma_start3A_44 = tpu.memref_squeeze %dma_start3A_43 : memref<1x1x80xi32, #tpu.memory_space<vmem>> -> memref<80xi32, #tpu.memory_space<vmem>>
        %dma_start3A_45 = arith.constant 0 : i32
        %dma_start3A_46 = arith.constant 0 : i32
        %dma_start3A_47 = tpu.memref_slice %arg10[%dma_start3A_45, %dma_start3A_46] : memref<10240x128xf32, #tpu.memory_space<vmem_shared>> -> memref<10240x128xf32, #tpu.memory_space<vmem_shared>>
        tpu.enqueue_indirect_dma source(%arg9 : memref<80x128xf32, #tpu.memory_space<vmem>>) target(%dma_start3A_47 : memref<10240x128xf32, #tpu.memory_space<vmem_shared>>) offsets(%dma_start3A_44 : memref<80xi32, #tpu.memory_space<vmem>>) semaphore(%run_scoped3A_41 : memref<!tpu.dma_semaphore, #tpu.memory_space<semaphore_mem>>) {add = true}
        %dma_wait3A_48 = arith.constant 0 : i32
        %dma_wait3A_49 = tpu.memref_slice %arg8[%scan3A_22, %run_scoped3A, %dma_wait3A_48] : memref<125x1x80xi32, #tpu.memory_space<vmem>> -> memref<1x1x80xi32, #tpu.memory_space<vmem>>
        %dma_wait3A_50 = tpu.memref_squeeze %dma_wait3A_49 : memref<1x1x80xi32, #tpu.memory_space<vmem>> -> memref<80xi32, #tpu.memory_space<vmem>>
        %dma_wait3A_51 = arith.constant 0 : i32
        %dma_wait3A_52 = arith.constant 0 : i32
        %dma_wait3A_53 = tpu.memref_slice %arg10[%dma_wait3A_51, %dma_wait3A_52] : memref<10240x128xf32, #tpu.memory_space<vmem_shared>> -> memref<10240x128xf32, #tpu.memory_space<vmem_shared>>
        tpu.wait_indirect_dma semaphore(%run_scoped3A_41 : memref<!tpu.dma_semaphore, #tpu.memory_space<semaphore_mem>>) src(%arg9 : memref<80x128xf32, #tpu.memory_space<vmem>>) dst(%dma_wait3A_53 : memref<10240x128xf32, #tpu.memory_space<vmem_shared>>)
        tpu.yield
      }) : () -> ()
    }
    %scan3A_20 = arith.constant 125 : i32
    %barrier3A_21 = arith.constant 0 : index
    tpu.barrier barrier_id(%barrier3A_21)
    "tpu.region"() ({
      %run_scoped3A = tpu.sem_alloc : memref<!tpu.dma_semaphore, #tpu.memory_space<semaphore_mem>>
      %dma_start3A = arith.constant 0 : i32
      %dma_start3A_22 = arith.constant 0 : i32
      %dma_start3A_23 = tpu.memref_slice %arg6[%add3A_13, %dma_start3A, %dma_start3A_22] : memref<4x10240x128xf32, #tpu.memory_space<hbm>> -> memref<1x10240x128xf32, #tpu.memory_space<hbm>>
      %dma_start3A_24 = tpu.memref_squeeze %dma_start3A_23 : memref<1x10240x128xf32, #tpu.memory_space<hbm>> -> memref<10240x128xf32, #tpu.memory_space<hbm>>
      %dma_start3A_25 = arith.constant 0 : i32
      %dma_start3A_26 = tpu.memref_slice %dma_start3A_24[%mul3A_0, %dma_start3A_25] : memref<10240x128xf32, #tpu.memory_space<hbm>> -> memref<640x128xf32, #tpu.memory_space<hbm>>
      %dma_start3A_27 = arith.constant 0 : i32
      %dma_start3A_28 = tpu.memref_slice %arg10[%mul3A_0, %dma_start3A_27] : memref<10240x128xf32, #tpu.memory_space<vmem_shared>> -> memref<640x128xf32, #tpu.memory_space<vmem_shared>>
      tpu.enqueue_dma source(%dma_start3A_28 : memref<640x128xf32, #tpu.memory_space<vmem_shared>>) target(%dma_start3A_26 : memref<640x128xf32, #tpu.memory_space<hbm>>) target_semaphore(%run_scoped3A : memref<!tpu.dma_semaphore, #tpu.memory_space<semaphore_mem>>)
      %dma_wait3A = arith.constant 0 : i32
      %dma_wait3A_29 = arith.constant 0 : i32
      %dma_wait3A_30 = tpu.memref_slice %arg6[%add3A_13, %dma_wait3A, %dma_wait3A_29] : memref<4x10240x128xf32, #tpu.memory_space<hbm>> -> memref<1x10240x128xf32, #tpu.memory_space<hbm>>
      %dma_wait3A_31 = tpu.memref_squeeze %dma_wait3A_30 : memref<1x10240x128xf32, #tpu.memory_space<hbm>> -> memref<10240x128xf32, #tpu.memory_space<hbm>>
      %dma_wait3A_32 = arith.constant 0 : i32
      %dma_wait3A_33 = tpu.memref_slice %dma_wait3A_31[%mul3A_0, %dma_wait3A_32] : memref<10240x128xf32, #tpu.memory_space<hbm>> -> memref<640x128xf32, #tpu.memory_space<hbm>>
      %dma_wait3A_34 = arith.constant 0 : i32
      %dma_wait3A_35 = tpu.memref_slice %arg10[%mul3A_0, %dma_wait3A_34] : memref<10240x128xf32, #tpu.memory_space<vmem_shared>> -> memref<640x128xf32, #tpu.memory_space<vmem_shared>>
      tpu.wait_dma2 semaphore(%run_scoped3A : memref<!tpu.dma_semaphore, #tpu.memory_space<semaphore_mem>>) src(%dma_wait3A_35 : memref<640x128xf32, #tpu.memory_space<vmem_shared>>) dst(%dma_wait3A_33 : memref<640x128xf32, #tpu.memory_space<hbm>>)
      tpu.yield
    }) : () -> ()
    return
  }
}

#map = affine_map<(d0, d1) -> (0, 0, 0)>
#map1 = affine_map<(d0, d1) -> (0, 0, 0, 0)>
#map2 = affine_map<(d0, d1) -> (0, 0)>
module attributes {stable_mosaic.version = 14 : i64} {
  func.func @k(%arg0: i32, %arg1: i32, %arg2: memref<2x10240x128xf32, #tpu.memory_space<hbm>>, %arg3: memref<16x125x80xi32, #tpu.memory_space<hbm>>, %arg4: memref<16x125x1x80xi32, #tpu.memory_space<hbm>>, %arg5: memref<10240x128xf32, #tpu.memory_space<hbm>>, %arg6: memref<2x10240x128xf32, #tpu.memory_space<hbm>>, %arg7: memref<125x80xi32, #tpu.memory_space<vmem>>, %arg8: memref<125x1x80xi32, #tpu.memory_space<vmem>>, %arg9: memref<80x128xf32, #tpu.memory_space<vmem>>, %arg10: memref<10240x128xf32, #tpu.memory_space<vmem_shared>>, %arg11: memref<!tpu.dma_semaphore, #tpu.memory_space<semaphore_mem>>) attributes {dimension_semantics = [#tpu.dimension_semantics<core_parallel>, #tpu.dimension_semantics<subcore_parallel>], iteration_bounds = array<i64: 2, 16>, scalar_prefetch = 0 : i64, scratch_operands = 5 : i64, tpu.core_type = #tpu.core_type<sc_vector_subcore>, window_params = [{transform_indices = #map}, {transform_indices = #map}, {transform_indices = #map1}, {transform_indices = #map2}, {transform_indices = #map}]} {
    "tpu.region"() ({
      %run_scoped3A = tpu.sem_alloc : memref<!tpu.dma_semaphore, #tpu.memory_space<semaphore_mem>>
      %dma_start3A = arith.constant 0 : i32
      %dma_start3A_10 = arith.constant 0 : i32
      %dma_start3A_11 = tpu.memref_slice %arg3[%arg1, %dma_start3A, %dma_start3A_10] : memref<16x125x80xi32, #tpu.memory_space<hbm>> -> memref<1x125x80xi32, #tpu.memory_space<hbm>>
      %dma_start3A_12 = tpu.memref_squeeze %dma_start3A_11 : memref<1x125x80xi32, #tpu.memory_space<hbm>> -> memref<125x80xi32, #tpu.memory_space<hbm>>
      %dma_start3A_13 = arith.constant 0 : i32
      %dma_start3A_14 = arith.constant 0 : i32
      %dma_start3A_15 = tpu.memref_slice %arg3[%arg1, %dma_start3A_13, %dma_start3A_14] : memref<16x125x80xi32, #tpu.memory_space<hbm>> -> memref<1x125x80xi32, #tpu.memory_space<hbm>>
      %dma_start3A_16 = tpu.memref_squeeze %dma_start3A_15 : memref<1x125x80xi32, #tpu.memory_space<hbm>> -> memref<125x80xi32, #tpu.memory_space<hbm>>
      tpu.enqueue_dma source(%dma_start3A_16 : memref<125x80xi32, #tpu.memory_space<hbm>>) target(%arg7 : memref<125x80xi32, #tpu.memory_space<vmem>>) target_semaphore(%run_scoped3A : memref<!tpu.dma_semaphore, #tpu.memory_space<semaphore_mem>>)
      %dma_wait3A = arith.constant 0 : i32
      %dma_wait3A_17 = arith.constant 0 : i32
      %dma_wait3A_18 = tpu.memref_slice %arg3[%arg1, %dma_wait3A, %dma_wait3A_17] : memref<16x125x80xi32, #tpu.memory_space<hbm>> -> memref<1x125x80xi32, #tpu.memory_space<hbm>>
      %dma_wait3A_19 = tpu.memref_squeeze %dma_wait3A_18 : memref<1x125x80xi32, #tpu.memory_space<hbm>> -> memref<125x80xi32, #tpu.memory_space<hbm>>
      %dma_wait3A_20 = arith.constant 0 : i32
      %dma_wait3A_21 = arith.constant 0 : i32
      %dma_wait3A_22 = tpu.memref_slice %arg3[%arg1, %dma_wait3A_20, %dma_wait3A_21] : memref<16x125x80xi32, #tpu.memory_space<hbm>> -> memref<1x125x80xi32, #tpu.memory_space<hbm>>
      %dma_wait3A_23 = tpu.memref_squeeze %dma_wait3A_22 : memref<1x125x80xi32, #tpu.memory_space<hbm>> -> memref<125x80xi32, #tpu.memory_space<hbm>>
      tpu.wait_dma2 semaphore(%run_scoped3A : memref<!tpu.dma_semaphore, #tpu.memory_space<semaphore_mem>>) src(%dma_wait3A_23 : memref<125x80xi32, #tpu.memory_space<hbm>>) dst(%arg7 : memref<125x80xi32, #tpu.memory_space<vmem>>)
      tpu.yield
    }) : () -> ()
    "tpu.region"() ({
      %run_scoped3A = tpu.sem_alloc : memref<!tpu.dma_semaphore, #tpu.memory_space<semaphore_mem>>
      %dma_start3A = arith.constant 0 : i32
      %dma_start3A_10 = arith.constant 0 : i32
      %dma_start3A_11 = arith.constant 0 : i32
      %dma_start3A_12 = tpu.memref_slice %arg4[%arg1, %dma_start3A, %dma_start3A_10, %dma_start3A_11] : memref<16x125x1x80xi32, #tpu.memory_space<hbm>> -> memref<1x125x1x80xi32, #tpu.memory_space<hbm>>
      %dma_start3A_13 = tpu.memref_squeeze %dma_start3A_12 : memref<1x125x1x80xi32, #tpu.memory_space<hbm>> -> memref<125x1x80xi32, #tpu.memory_space<hbm>>
      %dma_start3A_14 = arith.constant 0 : i32
      %dma_start3A_15 = arith.constant 0 : i32
      %dma_start3A_16 = arith.constant 0 : i32
      %dma_start3A_17 = tpu.memref_slice %arg4[%arg1, %dma_start3A_14, %dma_start3A_15, %dma_start3A_16] : memref<16x125x1x80xi32, #tpu.memory_space<hbm>> -> memref<1x125x1x80xi32, #tpu.memory_space<hbm>>
      %dma_start3A_18 = tpu.memref_squeeze %dma_start3A_17 : memref<1x125x1x80xi32, #tpu.memory_space<hbm>> -> memref<125x1x80xi32, #tpu.memory_space<hbm>>
      tpu.enqueue_dma source(%dma_start3A_18 : memref<125x1x80xi32, #tpu.memory_space<hbm>>) target(%arg8 : memref<125x1x80xi32, #tpu.memory_space<vmem>>) target_semaphore(%run_scoped3A : memref<!tpu.dma_semaphore, #tpu.memory_space<semaphore_mem>>)
      %dma_wait3A = arith.constant 0 : i32
      %dma_wait3A_19 = arith.constant 0 : i32
      %dma_wait3A_20 = arith.constant 0 : i32
      %dma_wait3A_21 = tpu.memref_slice %arg4[%arg1, %dma_wait3A, %dma_wait3A_19, %dma_wait3A_20] : memref<16x125x1x80xi32, #tpu.memory_space<hbm>> -> memref<1x125x1x80xi32, #tpu.memory_space<hbm>>
      %dma_wait3A_22 = tpu.memref_squeeze %dma_wait3A_21 : memref<1x125x1x80xi32, #tpu.memory_space<hbm>> -> memref<125x1x80xi32, #tpu.memory_space<hbm>>
      %dma_wait3A_23 = arith.constant 0 : i32
      %dma_wait3A_24 = arith.constant 0 : i32
      %dma_wait3A_25 = arith.constant 0 : i32
      %dma_wait3A_26 = tpu.memref_slice %arg4[%arg1, %dma_wait3A_23, %dma_wait3A_24, %dma_wait3A_25] : memref<16x125x1x80xi32, #tpu.memory_space<hbm>> -> memref<1x125x1x80xi32, #tpu.memory_space<hbm>>
      %dma_wait3A_27 = tpu.memref_squeeze %dma_wait3A_26 : memref<1x125x1x80xi32, #tpu.memory_space<hbm>> -> memref<125x1x80xi32, #tpu.memory_space<hbm>>
      tpu.wait_dma2 semaphore(%run_scoped3A : memref<!tpu.dma_semaphore, #tpu.memory_space<semaphore_mem>>) src(%dma_wait3A_27 : memref<125x1x80xi32, #tpu.memory_space<hbm>>) dst(%arg8 : memref<125x1x80xi32, #tpu.memory_space<vmem>>)
      tpu.yield
    }) : () -> ()
    %mul3A = arith.constant 640 : i32
    %mul3A_0 = arith.muli %arg1, %mul3A : i32
    %mul3A_1 = arith.constant 1 : i32
    %mul3A_2 = arith.muli %arg0, %mul3A_1 : i32
    %add3A = arith.constant 0 : i32
    %add3A_3 = arith.addi %mul3A_2, %add3A : i32
    "tpu.region"() ({
      %run_scoped3A = tpu.sem_alloc : memref<!tpu.dma_semaphore, #tpu.memory_space<semaphore_mem>>
      %dma_start3A = arith.constant 0 : i32
      %dma_start3A_10 = tpu.memref_slice %arg10[%mul3A_0, %dma_start3A] : memref<10240x128xf32, #tpu.memory_space<vmem_shared>> -> memref<640x128xf32, #tpu.memory_space<vmem_shared>>
      %dma_start3A_11 = arith.constant 0 : i32
      %dma_start3A_12 = tpu.memref_slice %arg5[%mul3A_0, %dma_start3A_11] : memref<10240x128xf32, #tpu.memory_space<hbm>> -> memref<640x128xf32, #tpu.memory_space<hbm>>
      tpu.enqueue_dma source(%dma_start3A_12 : memref<640x128xf32, #tpu.memory_space<hbm>>) target(%dma_start3A_10 : memref<640x128xf32, #tpu.memory_space<vmem_shared>>) target_semaphore(%run_scoped3A : memref<!tpu.dma_semaphore, #tpu.memory_space<semaphore_mem>>)
      %dma_wait3A = arith.constant 0 : i32
      %dma_wait3A_13 = tpu.memref_slice %arg10[%mul3A_0, %dma_wait3A] : memref<10240x128xf32, #tpu.memory_space<vmem_shared>> -> memref<640x128xf32, #tpu.memory_space<vmem_shared>>
      %dma_wait3A_14 = arith.constant 0 : i32
      %dma_wait3A_15 = tpu.memref_slice %arg5[%mul3A_0, %dma_wait3A_14] : memref<10240x128xf32, #tpu.memory_space<hbm>> -> memref<640x128xf32, #tpu.memory_space<hbm>>
      tpu.wait_dma2 semaphore(%run_scoped3A : memref<!tpu.dma_semaphore, #tpu.memory_space<semaphore_mem>>) src(%dma_wait3A_15 : memref<640x128xf32, #tpu.memory_space<hbm>>) dst(%dma_wait3A_13 : memref<640x128xf32, #tpu.memory_space<vmem_shared>>)
      tpu.yield
    }) : () -> ()
    %barrier3A = arith.constant 0 : index
    tpu.barrier barrier_id(%barrier3A)
    %scan3A = arith.constant 0 : i32
    %scan3A_4 = arith.constant 0 : i32
    %scan3A_5 = arith.constant 125 : i32
    %scan3A_6 = arith.addi %scan3A_4, %scan3A_5 : i32
    %scan3A_7 = arith.constant 1 : i32
    scf.for %scan3A_10 = %scan3A_4 to %scan3A_6 step %scan3A_7  : i32 {
      %dma_start3A = arith.constant 0 : i32
      %dma_start3A_11 = tpu.memref_slice %arg7[%scan3A_10, %dma_start3A] : memref<125x80xi32, #tpu.memory_space<vmem>> -> memref<1x80xi32, #tpu.memory_space<vmem>>
      %dma_start3A_12 = tpu.memref_squeeze %dma_start3A_11 : memref<1x80xi32, #tpu.memory_space<vmem>> -> memref<80xi32, #tpu.memory_space<vmem>>
      %dma_start3A_13 = arith.constant 0 : i32
      %dma_start3A_14 = arith.constant 0 : i32
      %dma_start3A_15 = tpu.memref_slice %arg2[%add3A_3, %dma_start3A_13, %dma_start3A_14] : memref<2x10240x128xf32, #tpu.memory_space<hbm>> -> memref<1x10240x128xf32, #tpu.memory_space<hbm>>
      %dma_start3A_16 = tpu.memref_squeeze %dma_start3A_15 : memref<1x10240x128xf32, #tpu.memory_space<hbm>> -> memref<10240x128xf32, #tpu.memory_space<hbm>>
      %dma_start3A_17 = arith.constant 0 : i32
      %dma_start3A_18 = arith.constant 0 : i32
      %dma_start3A_19 = tpu.memref_slice %dma_start3A_16[%dma_start3A_17, %dma_start3A_18] : memref<10240x128xf32, #tpu.memory_space<hbm>> -> memref<10240x128xf32, #tpu.memory_space<hbm>>
      tpu.enqueue_indirect_dma source(%dma_start3A_19 : memref<10240x128xf32, #tpu.memory_space<hbm>>) target(%arg9 : memref<80x128xf32, #tpu.memory_space<vmem>>) offsets(%dma_start3A_12 : memref<80xi32, #tpu.memory_space<vmem>>) semaphore(%arg11 : memref<!tpu.dma_semaphore, #tpu.memory_space<semaphore_mem>>)
      %dma_wait3A = arith.constant 0 : i32
      %dma_wait3A_20 = tpu.memref_slice %arg7[%scan3A_10, %dma_wait3A] : memref<125x80xi32, #tpu.memory_space<vmem>> -> memref<1x80xi32, #tpu.memory_space<vmem>>
      %dma_wait3A_21 = tpu.memref_squeeze %dma_wait3A_20 : memref<1x80xi32, #tpu.memory_space<vmem>> -> memref<80xi32, #tpu.memory_space<vmem>>
      %dma_wait3A_22 = arith.constant 0 : i32
      %dma_wait3A_23 = arith.constant 0 : i32
      %dma_wait3A_24 = tpu.memref_slice %arg2[%add3A_3, %dma_wait3A_22, %dma_wait3A_23] : memref<2x10240x128xf32, #tpu.memory_space<hbm>> -> memref<1x10240x128xf32, #tpu.memory_space<hbm>>
      %dma_wait3A_25 = tpu.memref_squeeze %dma_wait3A_24 : memref<1x10240x128xf32, #tpu.memory_space<hbm>> -> memref<10240x128xf32, #tpu.memory_space<hbm>>
      %dma_wait3A_26 = arith.constant 0 : i32
      %dma_wait3A_27 = arith.constant 0 : i32
      %dma_wait3A_28 = tpu.memref_slice %dma_wait3A_25[%dma_wait3A_26, %dma_wait3A_27] : memref<10240x128xf32, #tpu.memory_space<hbm>> -> memref<10240x128xf32, #tpu.memory_space<hbm>>
      tpu.wait_indirect_dma semaphore(%arg11 : memref<!tpu.dma_semaphore, #tpu.memory_space<semaphore_mem>>) src(%dma_wait3A_28 : memref<10240x128xf32, #tpu.memory_space<hbm>>) dst(%arg9 : memref<80x128xf32, #tpu.memory_space<vmem>>)
      %run_scoped3A = arith.constant 0 : i32
      "tpu.region"() ({
        %run_scoped3A_29 = tpu.sem_alloc : memref<!tpu.dma_semaphore, #tpu.memory_space<semaphore_mem>>
        %dma_start3A_30 = arith.constant 0 : i32
        %dma_start3A_31 = tpu.memref_slice %arg8[%scan3A_10, %run_scoped3A, %dma_start3A_30] : memref<125x1x80xi32, #tpu.memory_space<vmem>> -> memref<1x1x80xi32, #tpu.memory_space<vmem>>
        %dma_start3A_32 = tpu.memref_squeeze %dma_start3A_31 : memref<1x1x80xi32, #tpu.memory_space<vmem>> -> memref<80xi32, #tpu.memory_space<vmem>>
        %dma_start3A_33 = arith.constant 0 : i32
        %dma_start3A_34 = arith.constant 0 : i32
        %dma_start3A_35 = tpu.memref_slice %arg10[%dma_start3A_33, %dma_start3A_34] : memref<10240x128xf32, #tpu.memory_space<vmem_shared>> -> memref<10240x128xf32, #tpu.memory_space<vmem_shared>>
        tpu.enqueue_indirect_dma source(%arg9 : memref<80x128xf32, #tpu.memory_space<vmem>>) target(%dma_start3A_35 : memref<10240x128xf32, #tpu.memory_space<vmem_shared>>) offsets(%dma_start3A_32 : memref<80xi32, #tpu.memory_space<vmem>>) semaphore(%run_scoped3A_29 : memref<!tpu.dma_semaphore, #tpu.memory_space<semaphore_mem>>) {add = true}
        %dma_wait3A_36 = arith.constant 0 : i32
        %dma_wait3A_37 = tpu.memref_slice %arg8[%scan3A_10, %run_scoped3A, %dma_wait3A_36] : memref<125x1x80xi32, #tpu.memory_space<vmem>> -> memref<1x1x80xi32, #tpu.memory_space<vmem>>
        %dma_wait3A_38 = tpu.memref_squeeze %dma_wait3A_37 : memref<1x1x80xi32, #tpu.memory_space<vmem>> -> memref<80xi32, #tpu.memory_space<vmem>>
        %dma_wait3A_39 = arith.constant 0 : i32
        %dma_wait3A_40 = arith.constant 0 : i32
        %dma_wait3A_41 = tpu.memref_slice %arg10[%dma_wait3A_39, %dma_wait3A_40] : memref<10240x128xf32, #tpu.memory_space<vmem_shared>> -> memref<10240x128xf32, #tpu.memory_space<vmem_shared>>
        tpu.wait_indirect_dma semaphore(%run_scoped3A_29 : memref<!tpu.dma_semaphore, #tpu.memory_space<semaphore_mem>>) src(%arg9 : memref<80x128xf32, #tpu.memory_space<vmem>>) dst(%dma_wait3A_41 : memref<10240x128xf32, #tpu.memory_space<vmem_shared>>)
        tpu.yield
      }) : () -> ()
    }
    %scan3A_8 = arith.constant 125 : i32
    %barrier3A_9 = arith.constant 0 : index
    tpu.barrier barrier_id(%barrier3A_9)
    "tpu.region"() ({
      %run_scoped3A = tpu.sem_alloc : memref<!tpu.dma_semaphore, #tpu.memory_space<semaphore_mem>>
      %dma_start3A = arith.constant 0 : i32
      %dma_start3A_10 = arith.constant 0 : i32
      %dma_start3A_11 = tpu.memref_slice %arg6[%add3A_3, %dma_start3A, %dma_start3A_10] : memref<2x10240x128xf32, #tpu.memory_space<hbm>> -> memref<1x10240x128xf32, #tpu.memory_space<hbm>>
      %dma_start3A_12 = tpu.memref_squeeze %dma_start3A_11 : memref<1x10240x128xf32, #tpu.memory_space<hbm>> -> memref<10240x128xf32, #tpu.memory_space<hbm>>
      %dma_start3A_13 = arith.constant 0 : i32
      %dma_start3A_14 = tpu.memref_slice %dma_start3A_12[%mul3A_0, %dma_start3A_13] : memref<10240x128xf32, #tpu.memory_space<hbm>> -> memref<640x128xf32, #tpu.memory_space<hbm>>
      %dma_start3A_15 = arith.constant 0 : i32
      %dma_start3A_16 = tpu.memref_slice %arg10[%mul3A_0, %dma_start3A_15] : memref<10240x128xf32, #tpu.memory_space<vmem_shared>> -> memref<640x128xf32, #tpu.memory_space<vmem_shared>>
      tpu.enqueue_dma source(%dma_start3A_16 : memref<640x128xf32, #tpu.memory_space<vmem_shared>>) target(%dma_start3A_14 : memref<640x128xf32, #tpu.memory_space<hbm>>) target_semaphore(%run_scoped3A : memref<!tpu.dma_semaphore, #tpu.memory_space<semaphore_mem>>)
      %dma_wait3A = arith.constant 0 : i32
      %dma_wait3A_17 = arith.constant 0 : i32
      %dma_wait3A_18 = tpu.memref_slice %arg6[%add3A_3, %dma_wait3A, %dma_wait3A_17] : memref<2x10240x128xf32, #tpu.memory_space<hbm>> -> memref<1x10240x128xf32, #tpu.memory_space<hbm>>
      %dma_wait3A_19 = tpu.memref_squeeze %dma_wait3A_18 : memref<1x10240x128xf32, #tpu.memory_space<hbm>> -> memref<10240x128xf32, #tpu.memory_space<hbm>>
      %dma_wait3A_20 = arith.constant 0 : i32
      %dma_wait3A_21 = tpu.memref_slice %dma_wait3A_19[%mul3A_0, %dma_wait3A_20] : memref<10240x128xf32, #tpu.memory_space<hbm>> -> memref<640x128xf32, #tpu.memory_space<hbm>>
      %dma_wait3A_22 = arith.constant 0 : i32
      %dma_wait3A_23 = tpu.memref_slice %arg10[%mul3A_0, %dma_wait3A_22] : memref<10240x128xf32, #tpu.memory_space<vmem_shared>> -> memref<640x128xf32, #tpu.memory_space<vmem_shared>>
      tpu.wait_dma2 semaphore(%run_scoped3A : memref<!tpu.dma_semaphore, #tpu.memory_space<semaphore_mem>>) src(%dma_wait3A_23 : memref<640x128xf32, #tpu.memory_space<vmem_shared>>) dst(%dma_wait3A_21 : memref<640x128xf32, #tpu.memory_space<hbm>>)
      tpu.yield
    }) : () -> ()
    return
  }
}

module attributes {stable_mosaic.version = 14 : i64} {
  func.func @_dinv_kernel(%arg0: i32, %arg1: memref<2x1024x128xf32, #tpu.memory_space<vmem>>, %arg2: memref<1024x1xf32, #tpu.memory_space<vmem>>) attributes {dimension_semantics = [#tpu.dimension_semantics<arbitrary>], iteration_bounds = array<i64: 10>, scalar_prefetch = 0 : i64, scratch_operands = 0 : i64, tpu.core_type = #tpu.core_type<tc>, window_params = [{transform_indices = @transform_0, window_bounds = array<i64: 2, 1024, 128>}, {transform_indices = @transform_1, window_bounds = array<i64: 1024, 1>}]} {
    %get3A = arith.constant 0 : index
    %get3A_0 = arith.constant 0 : index
    %get3A_1 = arith.constant 0 : index
    %get3A_2 = vector.load %arg1[%get3A, %get3A_0, %get3A_1] : memref<2x1024x128xf32, #tpu.memory_space<vmem>>, vector<2x1024x128xf32>
    %slice3A = vector.extract_strided_slice %get3A_2 {offsets = [0, 0, 0], sizes = [1, 1024, 1], strides = [1, 1, 1]} : vector<2x1024x128xf32> to vector<1x1024x1xf32>
    %squeeze3A = vector.shape_cast %slice3A : vector<1x1024x1xf32> to vector<1024x1xf32>
    %slice3A_3 = vector.extract_strided_slice %get3A_2 {offsets = [1, 0, 0], sizes = [1, 1024, 1], strides = [1, 1, 1]} : vector<2x1024x128xf32> to vector<1x1024x1xf32>
    %squeeze3A_4 = vector.shape_cast %slice3A_3 : vector<1x1024x1xf32> to vector<1024x1xf32>
    %add3A = arith.addf %squeeze3A, %squeeze3A_4 : vector<1024x1xf32>
    %add3A_5 = arith.constant 1.000000e+00 : f32
    %add3A_6 = vector.broadcast %add3A_5 : f32 to vector<1024x1xf32>
    %add3A_7 = arith.addf %add3A, %add3A_6 : vector<1024x1xf32>
    %rsqrt3A = math.rsqrt %add3A_7 : vector<1024x1xf32>
    %swap3A = arith.constant 0 : index
    %swap3A_8 = arith.constant 0 : index
    %swap3A_9 = vector.load %arg2[%swap3A, %swap3A_8] : memref<1024x1xf32, #tpu.memory_space<vmem>>, vector<1024x1xf32>
    tpu.vector_store %arg2[%swap3A, %swap3A_8], %rsqrt3A {strides = array<i32>} : memref<1024x1xf32, #tpu.memory_space<vmem>>, vector<1024x1xf32>,
    return
  }
  func.func @transform_0(%arg0: i32) -> (i32, i32, i32) {
    %c0_i32 = arith.constant 0 : i32
    %c0_i32_0 = arith.constant 0 : i32
    %c0_i32_1 = arith.constant 0 : i32
    return %c0_i32, %arg0, %c0_i32_0 : i32, i32, i32
  }
  func.func @transform_1(%arg0: i32) -> (i32, i32) {
    %c0_i32 = arith.constant 0 : i32
    %c0_i32_0 = arith.constant 0 : i32
    return %arg0, %c0_i32 : i32, i32
  }
}

module attributes {stable_mosaic.version = 14 : i64} {
  func.func @_scale_chunk_kernel(%arg0: i32, %arg1: i32, %arg2: memref<1024x128xf32, #tpu.memory_space<vmem>>, %arg3: memref<1024x1xf32, #tpu.memory_space<vmem>>, %arg4: memref<1x1024x128xf32, #tpu.memory_space<vmem>>) attributes {dimension_semantics = [#tpu.dimension_semantics<arbitrary>, #tpu.dimension_semantics<arbitrary>], iteration_bounds = array<i64: 10, 2>, scalar_prefetch = 0 : i64, scratch_operands = 0 : i64, tpu.core_type = #tpu.core_type<tc>, window_params = [{transform_indices = @transform_0, window_bounds = array<i64: 1024, 128>}, {transform_indices = @transform_1, window_bounds = array<i64: 1024, 1>}, {transform_indices = @transform_2, window_bounds = array<i64: 1, 1024, 128>}]} {
    %get3A = arith.constant 0 : index
    %get3A_0 = arith.constant 0 : index
    %get3A_1 = vector.load %arg2[%get3A, %get3A_0] : memref<1024x128xf32, #tpu.memory_space<vmem>>, vector<1024x128xf32>
    %get3A_2 = arith.constant 0 : index
    %get3A_3 = arith.constant 0 : index
    %get3A_4 = vector.load %arg3[%get3A_2, %get3A_3] : memref<1024x1xf32, #tpu.memory_space<vmem>>, vector<1024x1xf32>
    %mul3A = vector.broadcast %get3A_4 : vector<1024x1xf32> to vector<1024x128xf32>
    %mul3A_5 = arith.mulf %get3A_1, %mul3A : vector<1024x128xf32>
    %broadcast_in_dim3A = vector.shape_cast %mul3A_5 : vector<1024x128xf32> to vector<1x1024x128xf32>
    %swap3A = arith.constant 0 : index
    %swap3A_6 = arith.constant 0 : index
    %swap3A_7 = arith.constant 0 : index
    %swap3A_8 = vector.load %arg4[%swap3A, %swap3A_6, %swap3A_7] : memref<1x1024x128xf32, #tpu.memory_space<vmem>>, vector<1x1024x128xf32>
    tpu.vector_store %arg4[%swap3A, %swap3A_6, %swap3A_7], %broadcast_in_dim3A {strides = array<i32>} : memref<1x1024x128xf32, #tpu.memory_space<vmem>>, vector<1x1024x128xf32>,
    return
  }
  func.func @transform_0(%arg0: i32, %arg1: i32) -> (i32, i32) {
    %c0_i32 = arith.constant 0 : i32
    return %arg0, %arg1 : i32, i32
  }
  func.func @transform_1(%arg0: i32, %arg1: i32) -> (i32, i32) {
    %c0_i32 = arith.constant 0 : i32
    %c0_i32_0 = arith.constant 0 : i32
    return %arg0, %c0_i32 : i32, i32
  }
  func.func @transform_2(%arg0: i32, %arg1: i32) -> (i32, i32, i32) {
    %c0_i32 = arith.constant 0 : i32
    %c0_i32_0 = arith.constant 0 : i32
    return %arg1, %arg0, %c0_i32 : i32, i32, i32
  }
}

module attributes {stable_mosaic.version = 14 : i64} {
  func.func @_combine_kernel(%arg0: i32, %arg1: i32, %arg2: memref<1x1024x128xf32, #tpu.memory_space<vmem>>, %arg3: memref<1x1024x128xf32, #tpu.memory_space<vmem>>, %arg4: memref<1024x1xf32, #tpu.memory_space<vmem>>, %arg5: memref<1024x128xf32, #tpu.memory_space<vmem>>) attributes {dimension_semantics = [#tpu.dimension_semantics<arbitrary>, #tpu.dimension_semantics<arbitrary>], iteration_bounds = array<i64: 10, 2>, scalar_prefetch = 0 : i64, scratch_operands = 0 : i64, tpu.core_type = #tpu.core_type<tc>, window_params = [{transform_indices = @transform_0, window_bounds = array<i64: 1, 1024, 128>}, {transform_indices = @transform_1, window_bounds = array<i64: 1, 1024, 128>}, {transform_indices = @transform_2, window_bounds = array<i64: 1024, 1>}, {transform_indices = @transform_3, window_bounds = array<i64: 1024, 128>}]} {
    %get3A = arith.constant 0 : index
    %get3A_0 = arith.constant 0 : index
    %get3A_1 = vector.load %arg4[%get3A, %get3A_0] : memref<1024x1xf32, #tpu.memory_space<vmem>>, vector<1024x1xf32>
    %get3A_2 = arith.constant 0 : index
    %get3A_3 = arith.constant 0 : index
    %get3A_4 = arith.constant 0 : index
    %get3A_5 = vector.load %arg2[%get3A_2, %get3A_3, %get3A_4] : memref<1x1024x128xf32, #tpu.memory_space<vmem>>, vector<1x1024x128xf32>
    %get3A_6 = vector.shape_cast %get3A_5 : vector<1x1024x128xf32> to vector<1024x128xf32>
    %get3A_7 = arith.constant 0 : index
    %get3A_8 = arith.constant 0 : index
    %get3A_9 = arith.constant 0 : index
    %get3A_10 = vector.load %arg3[%get3A_7, %get3A_8, %get3A_9] : memref<1x1024x128xf32, #tpu.memory_space<vmem>>, vector<1x1024x128xf32>
    %get3A_11 = vector.shape_cast %get3A_10 : vector<1x1024x128xf32> to vector<1024x128xf32>
    %add3A = arith.addf %get3A_6, %get3A_11 : vector<1024x128xf32>
    %mul3A = vector.broadcast %get3A_1 : vector<1024x1xf32> to vector<1024x128xf32>
    %mul3A_12 = arith.mulf %mul3A, %add3A : vector<1024x128xf32>
    %swap3A = arith.constant 0 : index
    %swap3A_13 = arith.constant 0 : index
    %swap3A_14 = vector.load %arg5[%swap3A, %swap3A_13] : memref<1024x128xf32, #tpu.memory_space<vmem>>, vector<1024x128xf32>
    tpu.vector_store %arg5[%swap3A, %swap3A_13], %mul3A_12 {strides = array<i32>} : memref<1024x128xf32, #tpu.memory_space<vmem>>, vector<1024x128xf32>,
    return
  }
  func.func @transform_0(%arg0: i32, %arg1: i32) -> (i32, i32, i32) {
    %c0_i32 = arith.constant 0 : i32
    %c0_i32_0 = arith.constant 0 : i32
    return %arg1, %arg0, %c0_i32 : i32, i32, i32
  }
  func.func @transform_1(%arg0: i32, %arg1: i32) -> (i32, i32, i32) {
    %c0_i32 = arith.constant 0 : i32
    %c0_i32_0 = arith.constant 0 : i32
    return %arg1, %arg0, %c0_i32 : i32, i32, i32
  }
  func.func @transform_2(%arg0: i32, %arg1: i32) -> (i32, i32) {
    %c0_i32 = arith.constant 0 : i32
    %c0_i32_0 = arith.constant 0 : i32
    return %arg0, %c0_i32 : i32, i32
  }
  func.func @transform_3(%arg0: i32, %arg1: i32) -> (i32, i32) {
    %c0_i32 = arith.constant 0 : i32
    return %arg0, %arg1 : i32, i32
  }
}

module attributes {stable_mosaic.version = 14 : i64} {
  func.func @_mm_bias_relu_kernel(%arg0: i32, %arg1: i32, %arg2: memref<1024x256xf32, #tpu.memory_space<vmem>>, %arg3: memref<256x128xf32, #tpu.memory_space<vmem>>, %arg4: memref<1x128xf32, #tpu.memory_space<vmem>>, %arg5: memref<1024x128xf32, #tpu.memory_space<vmem>>) attributes {dimension_semantics = [#tpu.dimension_semantics<arbitrary>, #tpu.dimension_semantics<arbitrary>], iteration_bounds = array<i64: 10, 4>, scalar_prefetch = 0 : i64, scratch_operands = 0 : i64, tpu.core_type = #tpu.core_type<tc>, window_params = [{transform_indices = @transform_0, window_bounds = array<i64: 1024, 256>}, {transform_indices = @transform_1, window_bounds = array<i64: 256, 128>}, {transform_indices = @transform_2, window_bounds = array<i64: 1, 128>}, {transform_indices = @transform_3, window_bounds = array<i64: 1024, 128>}]} {
    %get3A = arith.constant 0 : index
    %get3A_0 = arith.constant 0 : index
    %get3A_1 = vector.load %arg2[%get3A, %get3A_0] : memref<1024x256xf32, #tpu.memory_space<vmem>>, vector<1024x256xf32>
    %get3A_2 = arith.constant 0 : index
    %get3A_3 = arith.constant 0 : index
    %get3A_4 = vector.load %arg3[%get3A_2, %get3A_3] : memref<256x128xf32, #tpu.memory_space<vmem>>, vector<256x128xf32>
    %dot_general3A = arith.constant dense<0.000000e+00> : vector<1024x128xf32>
    %dot_general3A_5 = tpu.matmul %get3A_1, %get3A_4, %dot_general3A {dimension_numbers = #tpu.dot_dimension_numbers<[1], [0], [0], [1], [0, 0, 1, 1], [], []>, transpose_lhs_hint = false} : vector<1024x256xf32>, vector<256x128xf32>, vector<1024x128xf32> -> vector<1024x128xf32>
    %get3A_6 = arith.constant 0 : index
    %get3A_7 = arith.constant 0 : index
    %get3A_8 = vector.load %arg4[%get3A_6, %get3A_7] : memref<1x128xf32, #tpu.memory_space<vmem>>, vector<1x128xf32>
    %add3A = vector.broadcast %get3A_8 : vector<1x128xf32> to vector<1024x128xf32>
    %add3A_9 = arith.addf %dot_general3A_5, %add3A : vector<1024x128xf32>
    %max3A = arith.constant 0.000000e+00 : f32
    %max3A_10 = vector.broadcast %max3A : f32 to vector<1024x128xf32>
    %max3A_11 = arith.maximumf %add3A_9, %max3A_10 : vector<1024x128xf32>
    %swap3A = arith.constant 0 : index
    %swap3A_12 = arith.constant 0 : index
    %swap3A_13 = vector.load %arg5[%swap3A, %swap3A_12] : memref<1024x128xf32, #tpu.memory_space<vmem>>, vector<1024x128xf32>
    tpu.vector_store %arg5[%swap3A, %swap3A_12], %max3A_11 {strides = array<i32>} : memref<1024x128xf32, #tpu.memory_space<vmem>>, vector<1024x128xf32>,
    return
  }
  func.func @transform_0(%arg0: i32, %arg1: i32) -> (i32, i32) {
    %c0_i32 = arith.constant 0 : i32
    %c0_i32_0 = arith.constant 0 : i32
    return %arg0, %c0_i32 : i32, i32
  }
  func.func @transform_1(%arg0: i32, %arg1: i32) -> (i32, i32) {
    %c0_i32 = arith.constant 0 : i32
    %c0_i32_0 = arith.constant 0 : i32
    return %c0_i32, %arg1 : i32, i32
  }
  func.func @transform_2(%arg0: i32, %arg1: i32) -> (i32, i32) {
    %c0_i32 = arith.constant 0 : i32
    %c0_i32_0 = arith.constant 0 : i32
    return %c0_i32, %arg1 : i32, i32
  }
  func.func @transform_3(%arg0: i32, %arg1: i32) -> (i32, i32) {
    %c0_i32 = arith.constant 0 : i32
    return %arg0, %arg1 : i32, i32
  }
}

module attributes {stable_mosaic.version = 14 : i64} {
  func.func @_mm_scale_chunk_kernel(%arg0: i32, %arg1: i32, %arg2: memref<1024x512xf32, #tpu.memory_space<vmem>>, %arg3: memref<512x128xf32, #tpu.memory_space<vmem>>, %arg4: memref<1024x1xf32, #tpu.memory_space<vmem>>, %arg5: memref<1x1024x128xf32, #tpu.memory_space<vmem>>) attributes {dimension_semantics = [#tpu.dimension_semantics<arbitrary>, #tpu.dimension_semantics<arbitrary>], iteration_bounds = array<i64: 10, 4>, scalar_prefetch = 0 : i64, scratch_operands = 0 : i64, tpu.core_type = #tpu.core_type<tc>, window_params = [{transform_indices = @transform_0, window_bounds = array<i64: 1024, 512>}, {transform_indices = @transform_1, window_bounds = array<i64: 512, 128>}, {transform_indices = @transform_2, window_bounds = array<i64: 1024, 1>}, {transform_indices = @transform_3, window_bounds = array<i64: 1, 1024, 128>}]} {
    %get3A = arith.constant 0 : index
    %get3A_0 = arith.constant 0 : index
    %get3A_1 = vector.load %arg2[%get3A, %get3A_0] : memref<1024x512xf32, #tpu.memory_space<vmem>>, vector<1024x512xf32>
    %get3A_2 = arith.constant 0 : index
    %get3A_3 = arith.constant 0 : index
    %get3A_4 = vector.load %arg3[%get3A_2, %get3A_3] : memref<512x128xf32, #tpu.memory_space<vmem>>, vector<512x128xf32>
    %dot_general3A = arith.constant dense<0.000000e+00> : vector<1024x128xf32>
    %dot_general3A_5 = tpu.matmul %get3A_1, %get3A_4, %dot_general3A {dimension_numbers = #tpu.dot_dimension_numbers<[1], [0], [0], [1], [0, 0, 1, 1], [], []>, transpose_lhs_hint = false} : vector<1024x512xf32>, vector<512x128xf32>, vector<1024x128xf32> -> vector<1024x128xf32>
    %get3A_6 = arith.constant 0 : index
    %get3A_7 = arith.constant 0 : index
    %get3A_8 = vector.load %arg4[%get3A_6, %get3A_7] : memref<1024x1xf32, #tpu.memory_space<vmem>>, vector<1024x1xf32>
    %mul3A = vector.broadcast %get3A_8 : vector<1024x1xf32> to vector<1024x128xf32>
    %mul3A_9 = arith.mulf %mul3A, %dot_general3A_5 : vector<1024x128xf32>
    %broadcast_in_dim3A = vector.shape_cast %mul3A_9 : vector<1024x128xf32> to vector<1x1024x128xf32>
    %swap3A = arith.constant 0 : index
    %swap3A_10 = arith.constant 0 : index
    %swap3A_11 = arith.constant 0 : index
    %swap3A_12 = vector.load %arg5[%swap3A, %swap3A_10, %swap3A_11] : memref<1x1024x128xf32, #tpu.memory_space<vmem>>, vector<1x1024x128xf32>
    tpu.vector_store %arg5[%swap3A, %swap3A_10, %swap3A_11], %broadcast_in_dim3A {strides = array<i32>} : memref<1x1024x128xf32, #tpu.memory_space<vmem>>, vector<1x1024x128xf32>,
    return
  }
  func.func @transform_0(%arg0: i32, %arg1: i32) -> (i32, i32) {
    %c0_i32 = arith.constant 0 : i32
    %c0_i32_0 = arith.constant 0 : i32
    return %arg0, %c0_i32 : i32, i32
  }
  func.func @transform_1(%arg0: i32, %arg1: i32) -> (i32, i32) {
    %c0_i32 = arith.constant 0 : i32
    %c0_i32_0 = arith.constant 0 : i32
    return %c0_i32, %arg1 : i32, i32
  }
  func.func @transform_2(%arg0: i32, %arg1: i32) -> (i32, i32) {
    %c0_i32 = arith.constant 0 : i32
    %c0_i32_0 = arith.constant 0 : i32
    return %arg0, %c0_i32 : i32, i32
  }
  func.func @transform_3(%arg0: i32, %arg1: i32) -> (i32, i32, i32) {
    %c0_i32 = arith.constant 0 : i32
    %c0_i32_0 = arith.constant 0 : i32
    return %arg1, %arg0, %c0_i32 : i32, i32, i32
  }
}

module attributes {stable_mosaic.version = 14 : i64} {
  func.func @_mm_scale_chunk_kernel(%arg0: i32, %arg1: i32, %arg2: memref<1024x512xf32, #tpu.memory_space<vmem>>, %arg3: memref<512x128xf32, #tpu.memory_space<vmem>>, %arg4: memref<1024x1xf32, #tpu.memory_space<vmem>>, %arg5: memref<1x1024x128xf32, #tpu.memory_space<vmem>>) attributes {dimension_semantics = [#tpu.dimension_semantics<arbitrary>, #tpu.dimension_semantics<arbitrary>], iteration_bounds = array<i64: 10, 1>, scalar_prefetch = 0 : i64, scratch_operands = 0 : i64, tpu.core_type = #tpu.core_type<tc>, window_params = [{transform_indices = @transform_0, window_bounds = array<i64: 1024, 512>}, {transform_indices = @transform_1, window_bounds = array<i64: 512, 128>}, {transform_indices = @transform_2, window_bounds = array<i64: 1024, 1>}, {transform_indices = @transform_3, window_bounds = array<i64: 1, 1024, 128>}]} {
    %get3A = arith.constant 0 : index
    %get3A_0 = arith.constant 0 : index
    %get3A_1 = vector.load %arg2[%get3A, %get3A_0] : memref<1024x512xf32, #tpu.memory_space<vmem>>, vector<1024x512xf32>
    %get3A_2 = arith.constant 0 : index
    %get3A_3 = arith.constant 0 : index
    %get3A_4 = vector.load %arg3[%get3A_2, %get3A_3] : memref<512x128xf32, #tpu.memory_space<vmem>>, vector<512x128xf32>
    %dot_general3A = arith.constant dense<0.000000e+00> : vector<1024x128xf32>
    %dot_general3A_5 = tpu.matmul %get3A_1, %get3A_4, %dot_general3A {dimension_numbers = #tpu.dot_dimension_numbers<[1], [0], [0], [1], [0, 0, 1, 1], [], []>, transpose_lhs_hint = false} : vector<1024x512xf32>, vector<512x128xf32>, vector<1024x128xf32> -> vector<1024x128xf32>
    %get3A_6 = arith.constant 0 : index
    %get3A_7 = arith.constant 0 : index
    %get3A_8 = vector.load %arg4[%get3A_6, %get3A_7] : memref<1024x1xf32, #tpu.memory_space<vmem>>, vector<1024x1xf32>
    %mul3A = vector.broadcast %get3A_8 : vector<1024x1xf32> to vector<1024x128xf32>
    %mul3A_9 = arith.mulf %mul3A, %dot_general3A_5 : vector<1024x128xf32>
    %broadcast_in_dim3A = vector.shape_cast %mul3A_9 : vector<1024x128xf32> to vector<1x1024x128xf32>
    %swap3A = arith.constant 0 : index
    %swap3A_10 = arith.constant 0 : index
    %swap3A_11 = arith.constant 0 : index
    %swap3A_12 = vector.load %arg5[%swap3A, %swap3A_10, %swap3A_11] : memref<1x1024x128xf32, #tpu.memory_space<vmem>>, vector<1x1024x128xf32>
    tpu.vector_store %arg5[%swap3A, %swap3A_10, %swap3A_11], %broadcast_in_dim3A {strides = array<i32>} : memref<1x1024x128xf32, #tpu.memory_space<vmem>>, vector<1x1024x128xf32>,
    return
  }
  func.func @transform_0(%arg0: i32, %arg1: i32) -> (i32, i32) {
    %c0_i32 = arith.constant 0 : i32
    %c0_i32_0 = arith.constant 0 : i32
    return %arg0, %c0_i32 : i32, i32
  }
  func.func @transform_1(%arg0: i32, %arg1: i32) -> (i32, i32) {
    %c0_i32 = arith.constant 0 : i32
    %c0_i32_0 = arith.constant 0 : i32
    return %c0_i32, %arg1 : i32, i32
  }
  func.func @transform_2(%arg0: i32, %arg1: i32) -> (i32, i32) {
    %c0_i32 = arith.constant 0 : i32
    %c0_i32_0 = arith.constant 0 : i32
    return %arg0, %c0_i32 : i32, i32
  }
  func.func @transform_3(%arg0: i32, %arg1: i32) -> (i32, i32, i32) {
    %c0_i32 = arith.constant 0 : i32
    %c0_i32_0 = arith.constant 0 : i32
    return %arg1, %arg0, %c0_i32 : i32, i32, i32
  }
}

module attributes {stable_mosaic.version = 14 : i64} {
  func.func @_combine_bias_relu_kernel(%arg0: i32, %arg1: i32, %arg2: memref<1x1024x128xf32, #tpu.memory_space<vmem>>, %arg3: memref<1x1024x128xf32, #tpu.memory_space<vmem>>, %arg4: memref<1024x1xf32, #tpu.memory_space<vmem>>, %arg5: memref<1x128xf32, #tpu.memory_space<vmem>>, %arg6: memref<1024x128xf32, #tpu.memory_space<vmem>>) attributes {dimension_semantics = [#tpu.dimension_semantics<arbitrary>, #tpu.dimension_semantics<arbitrary>], iteration_bounds = array<i64: 10, 4>, scalar_prefetch = 0 : i64, scratch_operands = 0 : i64, tpu.core_type = #tpu.core_type<tc>, window_params = [{transform_indices = @transform_0, window_bounds = array<i64: 1, 1024, 128>}, {transform_indices = @transform_1, window_bounds = array<i64: 1, 1024, 128>}, {transform_indices = @transform_2, window_bounds = array<i64: 1024, 1>}, {transform_indices = @transform_3, window_bounds = array<i64: 1, 128>}, {transform_indices = @transform_4, window_bounds = array<i64: 1024, 128>}]} {
    %get3A = arith.constant 0 : index
    %get3A_0 = arith.constant 0 : index
    %get3A_1 = vector.load %arg4[%get3A, %get3A_0] : memref<1024x1xf32, #tpu.memory_space<vmem>>, vector<1024x1xf32>
    %get3A_2 = arith.constant 0 : index
    %get3A_3 = arith.constant 0 : index
    %get3A_4 = arith.constant 0 : index
    %get3A_5 = vector.load %arg2[%get3A_2, %get3A_3, %get3A_4] : memref<1x1024x128xf32, #tpu.memory_space<vmem>>, vector<1x1024x128xf32>
    %get3A_6 = vector.shape_cast %get3A_5 : vector<1x1024x128xf32> to vector<1024x128xf32>
    %get3A_7 = arith.constant 0 : index
    %get3A_8 = arith.constant 0 : index
    %get3A_9 = arith.constant 0 : index
    %get3A_10 = vector.load %arg3[%get3A_7, %get3A_8, %get3A_9] : memref<1x1024x128xf32, #tpu.memory_space<vmem>>, vector<1x1024x128xf32>
    %get3A_11 = vector.shape_cast %get3A_10 : vector<1x1024x128xf32> to vector<1024x128xf32>
    %add3A = arith.addf %get3A_6, %get3A_11 : vector<1024x128xf32>
    %mul3A = vector.broadcast %get3A_1 : vector<1024x1xf32> to vector<1024x128xf32>
    %mul3A_12 = arith.mulf %mul3A, %add3A : vector<1024x128xf32>
    %get3A_13 = arith.constant 0 : index
    %get3A_14 = arith.constant 0 : index
    %get3A_15 = vector.load %arg5[%get3A_13, %get3A_14] : memref<1x128xf32, #tpu.memory_space<vmem>>, vector<1x128xf32>
    %add3A_16 = vector.broadcast %get3A_15 : vector<1x128xf32> to vector<1024x128xf32>
    %add3A_17 = arith.addf %mul3A_12, %add3A_16 : vector<1024x128xf32>
    %max3A = arith.constant 0.000000e+00 : f32
    %max3A_18 = vector.broadcast %max3A : f32 to vector<1024x128xf32>
    %max3A_19 = arith.maximumf %add3A_17, %max3A_18 : vector<1024x128xf32>
    %swap3A = arith.constant 0 : index
    %swap3A_20 = arith.constant 0 : index
    %swap3A_21 = vector.load %arg6[%swap3A, %swap3A_20] : memref<1024x128xf32, #tpu.memory_space<vmem>>, vector<1024x128xf32>
    tpu.vector_store %arg6[%swap3A, %swap3A_20], %max3A_19 {strides = array<i32>} : memref<1024x128xf32, #tpu.memory_space<vmem>>, vector<1024x128xf32>,
    return
  }
  func.func @transform_0(%arg0: i32, %arg1: i32) -> (i32, i32, i32) {
    %c0_i32 = arith.constant 0 : i32
    %c0_i32_0 = arith.constant 0 : i32
    return %arg1, %arg0, %c0_i32 : i32, i32, i32
  }
  func.func @transform_1(%arg0: i32, %arg1: i32) -> (i32, i32, i32) {
    %c0_i32 = arith.constant 0 : i32
    %c0_i32_0 = arith.constant 0 : i32
    return %arg1, %arg0, %c0_i32 : i32, i32, i32
  }
  func.func @transform_2(%arg0: i32, %arg1: i32) -> (i32, i32) {
    %c0_i32 = arith.constant 0 : i32
    %c0_i32_0 = arith.constant 0 : i32
    return %arg0, %c0_i32 : i32, i32
  }
  func.func @transform_3(%arg0: i32, %arg1: i32) -> (i32, i32) {
    %c0_i32 = arith.constant 0 : i32
    %c0_i32_0 = arith.constant 0 : i32
    return %c0_i32, %arg1 : i32, i32
  }
  func.func @transform_4(%arg0: i32, %arg1: i32) -> (i32, i32) {
    %c0_i32 = arith.constant 0 : i32
    return %arg0, %arg1 : i32, i32
  }
}

module attributes {stable_mosaic.version = 14 : i64} {
  func.func @_combine3_kernel(%arg0: i32, %arg1: memref<2x1024x128xf32, #tpu.memory_space<vmem>>, %arg2: memref<1024x128xf32, #tpu.memory_space<vmem>>, %arg3: memref<1024x1xf32, #tpu.memory_space<vmem>>, %arg4: memref<1x128xf32, #tpu.memory_space<vmem>>, %arg5: memref<1024x128xf32, #tpu.memory_space<vmem>>) attributes {dimension_semantics = [#tpu.dimension_semantics<arbitrary>], iteration_bounds = array<i64: 10>, scalar_prefetch = 0 : i64, scratch_operands = 0 : i64, tpu.core_type = #tpu.core_type<tc>, window_params = [{transform_indices = @transform_0, window_bounds = array<i64: 2, 1024, 128>}, {transform_indices = @transform_1, window_bounds = array<i64: 1024, 128>}, {transform_indices = @transform_2, window_bounds = array<i64: 1024, 1>}, {pipeline_mode = #tpu.pipeline_mode<synchronous>, transform_indices = @transform_3, window_bounds = array<i64: 1, 128>}, {transform_indices = @transform_4, window_bounds = array<i64: 1024, 128>}]} {
    %get3A = arith.constant 0 : index
    %get3A_0 = arith.constant 0 : index
    %get3A_1 = vector.load %arg3[%get3A, %get3A_0] : memref<1024x1xf32, #tpu.memory_space<vmem>>, vector<1024x1xf32>
    %get3A_2 = arith.constant 0 : index
    %get3A_3 = arith.constant 0 : index
    %get3A_4 = arith.constant 0 : index
    %get3A_5 = vector.load %arg1[%get3A_2, %get3A_3, %get3A_4] : memref<2x1024x128xf32, #tpu.memory_space<vmem>>, vector<1x1024x128xf32>
    %get3A_6 = vector.shape_cast %get3A_5 : vector<1x1024x128xf32> to vector<1024x128xf32>
    %get3A_7 = arith.constant 1 : index
    %get3A_8 = arith.constant 0 : index
    %get3A_9 = arith.constant 0 : index
    %get3A_10 = vector.load %arg1[%get3A_7, %get3A_8, %get3A_9] : memref<2x1024x128xf32, #tpu.memory_space<vmem>>, vector<1x1024x128xf32>
    %get3A_11 = vector.shape_cast %get3A_10 : vector<1x1024x128xf32> to vector<1024x128xf32>
    %add3A = arith.addf %get3A_6, %get3A_11 : vector<1024x128xf32>
    %get3A_12 = arith.constant 0 : index
    %get3A_13 = arith.constant 0 : index
    %get3A_14 = vector.load %arg2[%get3A_12, %get3A_13] : memref<1024x128xf32, #tpu.memory_space<vmem>>, vector<1024x128xf32>
    %add3A_15 = arith.addf %add3A, %get3A_14 : vector<1024x128xf32>
    %mul3A = vector.broadcast %get3A_1 : vector<1024x1xf32> to vector<1024x128xf32>
    %mul3A_16 = arith.mulf %mul3A, %add3A_15 : vector<1024x128xf32>
    %get3A_17 = arith.constant 0 : index
    %get3A_18 = arith.constant 0 : index
    %get3A_19 = vector.load %arg4[%get3A_17, %get3A_18] : memref<1x128xf32, #tpu.memory_space<vmem>>, vector<1x128xf32>
    %add3A_20 = vector.broadcast %get3A_19 : vector<1x128xf32> to vector<1024x128xf32>
    %add3A_21 = arith.addf %mul3A_16, %add3A_20 : vector<1024x128xf32>
    %swap3A = arith.constant 0 : index
    %swap3A_22 = arith.constant 0 : index
    %swap3A_23 = vector.load %arg5[%swap3A, %swap3A_22] : memref<1024x128xf32, #tpu.memory_space<vmem>>, vector<1024x128xf32>
    tpu.vector_store %arg5[%swap3A, %swap3A_22], %add3A_21 {strides = array<i32>} : memref<1024x128xf32, #tpu.memory_space<vmem>>, vector<1024x128xf32>,
    return
  }
  func.func @transform_0(%arg0: i32) -> (i32, i32, i32) {
    %c0_i32 = arith.constant 0 : i32
    %c0_i32_0 = arith.constant 0 : i32
    %c0_i32_1 = arith.constant 0 : i32
    return %c0_i32, %arg0, %c0_i32_0 : i32, i32, i32
  }
  func.func @transform_1(%arg0: i32) -> (i32, i32) {
    %c0_i32 = arith.constant 0 : i32
    %c0_i32_0 = arith.constant 0 : i32
    return %arg0, %c0_i32 : i32, i32
  }
  func.func @transform_2(%arg0: i32) -> (i32, i32) {
    %c0_i32 = arith.constant 0 : i32
    %c0_i32_0 = arith.constant 0 : i32
    return %arg0, %c0_i32 : i32, i32
  }
  func.func @transform_3(%arg0: i32) -> (i32, i32) {
    %c0_i32 = arith.constant 0 : i32
    %c0_i32_0 = arith.constant 0 : i32
    %c0_i32_1 = arith.constant 0 : i32
    return %c0_i32, %c0_i32_0 : i32, i32
  }
  func.func @transform_4(%arg0: i32) -> (i32, i32) {
    %c0_i32 = arith.constant 0 : i32
    %c0_i32_0 = arith.constant 0 : i32
    return %arg0, %c0_i32 : i32, i32
  }
}

</mosaic_0001>

<sc_bundles>
// kernel: kernel.14.cloned.1.call-start
scs
__scs_entry_jumppad:
0x0: {  	(pc) =	sbr.rel $0x88, $3  }
0x1: {  	(tag) =	ssettag $0x0;
	lr =	simm.s32 $0x1  }
0x2: {  	[smem:$0x3F99] =	sst lr;
	_ =	strace $0xD0000000  }
0x3: {  	_ = 	snop  }
0x4: {  	_ = 	snop  }
0x5: {  	_ = 	snop  }
0x6: {  	_ = 	snop  }
0x7: {  	_ = 	snop  }
__scs_overlays_trampoline_lowered:
0x8: {  	[smem:$0x3FA8] =	sst s0  }
0x9: {  	[smem:$0x3FA9] =	sst s1  }
0xa: {  	[smem:$0x3FAA] =	sst s2  }
0xb: {  	[smem:$0x3FAB] =	sst s3  }
0xc: {  	[smem:$0x3FAC] =	sst s4  }
0xd: {  	[smem:$0x3FAD] =	sst s5  }
0xe: {  	[smem:$0x3FAE] =	sst s6  }
0xf: {  	[smem:$0x3FAF] =	sst s7  }
0x10: {  	[smem:$0x3FB0] =	sst s8  }
0x11: {  	[smem:$0x3FB1] =	sst s9;
	s0 =	simm.s32 @!p0 $0x0  }
0x12: {  	s1 =	sld [smem:$0x3F97];
	s0 =	simm.s32 @p0 $0x1  }
0x13: {  	[smem:$0x3FB2] =	sst s0;
	s0 =	simm.s32 @!p1 $0x0  }
0x14: {  	s2 =	sld [smem:$0x3F96];
	s0 =	simm.s32 @p1 $0x1  }
0x15: {  	[smem:$0x3FB3] =	sst s0;
	s0 =	simm.s32 @!p2 $0x0  }
0x16: {  	s3 =	sld [smem:$0x3FDB];
	s0 =	simm.s32 @p2 $0x1  }
0x17: {  	s4 =	simm.s32 $0x1BF5;
	[smem:$0x3FB5] =	sst s0  }
0x18: {  	s0 =	sld [smem:$0x3F98];
	_ =	swait.ge [sflag:s4], $0x0  }
0x19: {  	s7 =	sld [smem:$0x3F99]  }
0x1a: {  	s8 =	sadd.s32 $0xFFFFE003, lr  }
0x1b: {  	s9 =	sadd.s32 $0xFFFFFEF7, lr;
	s5 =	simm.s32 $0xFFFFFFFF;
	p2 =	slt.u32 s8, $0xFFFFF086  }
0x1c: {  	p1 =	slt.u32 s9, $0xF7A;
	s5 =	simm.s32 @!p2 $0x0  }
0x1d: {  	s5 =	simm.s32 @p1 $0x1;
	p0 =	seq.s32 s7, s2  }
0x1e: {  	s7 =	smul.u32 @!p0 $0xF7A, s2;
	p2 =	seq.s32 @!p0 s5, $0x0  }
0x1f: {  	s9 =	smul.u32 $0xF7A, s1;
	s8 =	simm.s32 @!p0 $0x1BF5;
	p2 =	por !p2, p0  }
0x20: {  	[sflag:s8] =	ssyncset.s32 @!p0 $0xFFFFF086;
	s6 =	sadd.s32 @!p0 s3, s7;
	s7 =	simm.s32 @!p0 $0x108  }
0x21: {  	s3 =	sadd.s32 s3, s9;
	s6 =	sadd.s32 @!p0 $0x88, s6;
	s7 =	simm.s32 @p2 $0x1082  }
0x22: {  	[simem:s7], [sflag:s8] =	dma.local @!p0 [hbm:s6], $0xF7A  }
0x23: {  	s9 =	sor.u32 $0xD0000000, s2;
	s6 =	simm.s32 $0x108;
	_ =	swait.ge @!p0 [sflag:s8], $0x0  }
0x24: {  	s3 =	sadd.s32 $0x88, s3;
	s6 =	simm.s32 @!p1 $0x1082;
	[sflag:s4] =	ssyncset.s32 $0xFFFFF086  }
0x25: {  	[simem:s6], [sflag:s4] =	dma.local [hbm:s3], $0xF7A  }
0x26: {  	[smem:$0x3F99] =	sst s1;
	(tag) =	ssettag s2;
	_ =	strace s9  }
0x27: {  	s1 =	sld [smem:$0x3FA9]  }
0x28: {  	s2 =	sld [smem:$0x3FAA]  }
0x29: {  	s4 =	sld [smem:$0x3FAC]  }
0x2a: {  	p0 =	seq.s32 s5, $0x0;
	s5 =	sld [smem:$0x3FAD]  }
0x2b: {  	s6 =	sld [smem:$0x3FAE]  }
0x2c: {  	s7 =	sld [smem:$0x3FAF]  }
0x2d: {  	s3 =	simm.s32 $0x108;
	s8 =	sld [smem:$0x3FB0]  }
0x2e: {  	s3 =	simm.s32 @!p0 $0x1082;
	s9 =	sld [smem:$0x3FB1]  }
0x2f: {  	lr =	sadd.s32 s0, s3;
	s0 =	sld [smem:$0x3FA8]  }
0x30: {  	s3 =	sld [smem:$0x3FAB]  }
0x31: {  	[smem:$0x3FB4] =	sst s10  }
0x32: {  	s10 =	sld [smem:$0x3FB2];
	_ =	sdelay $0x3  }
0x33: {  	p0 =	seq.s32 s10, $0x1;
	s10 =	sld [smem:$0x3FB4];
	_ =	sdelay $0x3  }
0x34: {  	[smem:$0x3FB4] =	sst s10  }
0x35: {  	s10 =	sld [smem:$0x3FB3];
	_ =	sdelay $0x3  }
0x36: {  	p1 =	seq.s32 s10, $0x1;
	s10 =	sld [smem:$0x3FB4];
	_ =	sdelay $0x3  }
0x37: {  	[smem:$0x3FB4] =	sst s10  }
0x38: {  	s10 =	sld [smem:$0x3FB5]  }
0x39: {  	_ = 	snop;
	(pc) =	sbr.ind lr, $3  }
0x3a: {  	_ = 	snop  }
0x3b: {  	_ = 	snop  }
0x3c: {  	p2 =	seq.s32 s10, $0x1;
	s10 =	sld [smem:$0x3FB4]  }
0x3d: {  	_ =	shalt  }
0x3e: {  	_ =	shalt  }
0x3f: {  	_ =	shalt  }
0x40: {  	_ =	shalt  }
0x41: {  	_ =	shalt  }
0x42: {  	_ =	shalt  }
0x43: {  	_ =	shalt  }
0x44: {  	_ =	shalt  }
0x45: {  	_ =	shalt  }
0x46: {  	_ =	shalt  }
0x47: {  	_ =	shalt  }
0x48: {  	_ =	shalt  }
0x49: {  	_ =	shalt  }
0x4a: {  	_ =	shalt  }
0x4b: {  	_ =	shalt  }
0x4c: {  	_ =	shalt  }
0x4d: {  	_ =	shalt  }
0x4e: {  	_ =	shalt  }
0x4f: {  	_ =	shalt  }
0x50: {  	_ =	shalt  }
0x51: {  	_ =	shalt  }
0x52: {  	_ =	shalt  }
0x53: {  	_ =	shalt  }
0x54: {  	_ =	shalt  }
0x55: {  	_ =	shalt  }
0x56: {  	_ =	shalt  }
0x57: {  	_ =	shalt  }
0x58: {  	_ =	shalt  }
0x59: {  	_ =	shalt  }
0x5a: {  	_ =	shalt  }
0x5b: {  	_ =	shalt  }
0x5c: {  	_ =	shalt  }
0x5d: {  	_ =	shalt  }
0x5e: {  	_ =	shalt  }
0x5f: {  	_ =	shalt  }
0x60: {  	_ =	shalt  }
0x61: {  	_ =	shalt  }
0x62: {  	_ =	shalt  }
0x63: {  	_ =	shalt  }
0x64: {  	_ =	shalt  }
0x65: {  	_ =	shalt  }
0x66: {  	_ =	shalt  }
0x67: {  	_ =	shalt  }
0x68: {  	_ =	shalt  }
0x69: {  	_ =	shalt  }
0x6a: {  	_ =	shalt  }
0x6b: {  	_ =	shalt  }
0x6c: {  	_ =	shalt  }
0x6d: {  	_ =	shalt  }
0x6e: {  	_ =	shalt  }
0x6f: {  	_ =	shalt  }
0x70: {  	_ =	shalt  }
0x71: {  	_ =	shalt  }
0x72: {  	_ =	shalt  }
0x73: {  	_ =	shalt  }
0x74: {  	_ =	shalt  }
0x75: {  	_ =	shalt  }
0x76: {  	_ =	shalt  }
0x77: {  	_ =	shalt  }
0x78: {  	_ =	shalt  }
0x79: {  	_ =	shalt  }
0x7a: {  	_ =	shalt  }
0x7b: {  	_ =	shalt  }
0x7c: {  	_ =	shalt  }
0x7d: {  	_ =	shalt  }
0x7e: {  	_ =	shalt  }
0x7f: {  	_ =	shalt  }
0x80: {  	_ =	shalt  }
0x81: {  	_ =	shalt  }
0x82: {  	_ =	shalt  }
0x83: {  	_ =	shalt  }
0x84: {  	_ =	shalt  }
0x85: {  	_ =	shalt  }
0x86: {  	_ =	shalt  }
0x87: {  	_ =	shalt  }
.Lfunc_end0:
.L_simem_size_0:
called_computation_lowered:
.L_overlay_start_0:
0x88: {  	s2 =	sld [smem:$0x3FD9]  }
0x89: {  	s3 =	sld [smem:$0x3FFE];
	_ =	sdelay $0x1  }
0x8a: {  	s1 =	srdreg.scid  }
0x8b: {  	s0 =	sand.u32 $0x1, s1  }
0x8c: {  	s17 =	sshll.u32 s0, $0xA;
	s2 =	sadd.s32 s3, s2  }
0x8d: {  	s2 =	sadd.s32 s2, s17  }
0x8e: {  	[smem:$0x3FC0] =	sst s2  }
0x8f: {  	_ = 	snop  }
0x90: {  	s2 =	sld [smem:$0x3FD0];
	(tm) =	ssettm $0x1  }
0x91: {  	s18 =	sld [smem:$0x3FFB];
	_ =	sdelay $0x3  }
0x92: {  	_ =	strace s18  }
0x93: {  	s3 =	sld [smem:$0x3FFC];
	_ =	sdelay $0x3  }
0x94: {  	_ =	strace s3  }
0x95: {  	s3 =	sld [smem:$0x3FFD];
	_ =	sdelay $0x3  }
0x96: {  	_ =	strace s3  }
0x97: {  	_ =	strace $0x8FFFFFFF  }
0x98: {  	s19 =	sld [smem:$0x3FDB];
	_ =	sdelay $0x1  }
0x99: {  	s4 =	simm.s32 $_scs_section_size  }
0x9a: {  	s5 =	simm.s32 $_size__tile_overlayer_lowered;
	s6 =	simm.s32 $_tile_overlayer_lowered  }
0x9b: {  	s22 =	simm.s32 $0x1BFF;
	s21 =	sshll.u32 s6, $0x1;
	s3 =	sadd.s32 s4, s19  }
0x9c: {  	s7 =	simm.s32 $0x0;
	s20 =	sshll.u32 s5, $0x1;
	s5 =	sadd.s32 s21, s3  }
0x9d: {  	[timem:s7], [sflag:s22] =	dma.local [hbm:s5], s20  }
0x9e: {  	_ =	swait.ge [sflag:s22], s20  }
0x9f: {  	s4 =	ssub.s32 $0x0, s20;
	[sflag:s22] =	ssyncset.done $0x0  }
0xa0: {  	[sflag:s22] =	ssyncadd.s32 s4;
	_ =	sdelay $0x1  }
0xa1: {  	s23 =	simm.s32 $0x1B8B  }
0xa2: {  	_ =	swait.ge [sflag:s23], $0x1  }
0xa3: {  	[sflag:s23] =	ssyncset.done $0x0  }
0xa4: {  	s25 =	simm.s32 $0x1B8E;
	s24 =	sld [smem:$0x3FFE];
	[sflag:s23] =	ssyncadd.s32 $0xFFFFFFFF  }
0xa5: {  	s26 =	simm.s32 $execute0_lowered;
	[smem:$0x3FD2] =	sst s25  }
0xa6: {  	s5 =	sshll.u32 s26, $0x1;
	_ =	strace $0x80000046;
	[dreg:$0x1] =	wrdreg $0xFFFFFFFF  }
0xa7: {  	s28 =	simm.s32 $_size_execute0_lowered;
	s3 =	sadd.s32 s3, s5;
	[dreg:$0x0] =	wrdreg $0x0  }
0xa8: {  	s5 =	sshll.u32 s28, $0x1;
	[dreg:$0x2] =	wrdreg s3  }
0xa9: {  	[dreg:$0x3] =	wrdreg s5  }
0xaa: {  	[dreg:$0x4] =	wrdreg $0xC0  }
0xab: {  	_ =	task [dreg:s7], $0x5FFFF  }
0xac: {  	[dreg:$0x1] =	wrdreg $0xFFFFFFFF  }
0xad: {  	[dreg:$0x0] =	wrdreg $0x60  }
0xae: {  	[dreg:$0x2] =	wrdreg s24  }
0xaf: {  	[dreg:$0x3] =	wrdreg s2  }
0xb0: {  	[dreg:$0x4] =	wrdreg $0x52800  }
0xb1: {  	[dreg:$0x5] =	wrdreg $0x9  }
0xb2: {  	_ =	task.clear_ibuf [dreg:s7], $0x6FFFF;
	_ =	strace $0x90000046  }
0xb3: {  	s29 =	simm.s32 $0x9;
	_ =	strace $0x80000048  }
0xb4: {  	_ =	swait.ge [sflag:s29], $0x1  }
0xb5: {  	[sflag:s29] =	ssyncadd.s32 $0xFFFFFFFF  }
0xb6: {  	_ =	strace $0x90000048  }
0xb7: {  	_ =	sfence  }
0xb8: {  	s30 =	sld [smem:$0x0];
	_ =	sdelay $0x2  }
0xb9: {  	s31 =	sshll.u32 s1, $0xD;
	s1 =	sshrl.u32 s1, $0x2  }
0xba: {  	s3 =	sand.u32 $0x4000, s31;
	s1 =	sadd.s32 s1, s30  }
0xbb: {  	s0 =	sor.u32 s3, s0;
	s1 =	sshll.u32 s1, $0x11  }
0xbc: {  	s0 =	sor.u32 s1, s0  }
0xbd: {  	s0 =	sadd.s32 $0x8F2B, s0  }
0xbe: {  	[sflag:s0] =	ssyncadd.remote.s32 $0x1  }
0xbf: {  	_ =	sfence.sel $0xFFFF  }
0xc0: {  	[dreg:$0x0] =	wrdreg $0xFFFFFFFF;
	(pc) =	sbr.abs _section_cstart, $3  }
0xc1: {  	[dreg:$0x1] =	wrdreg $0xFFFFFFFF  }
0xc2: {  	_ =	task.clear_ibuf [dreg:s7], $0x2FFFF;
	_ =	strace $0x9FFFFFFF  }
0xc3: {  	(tm) =	ssettm $0x7FFFFFFF  }
tec
execute0_lowered:
.L_overlay_start_1:
0x0: {  	(tag) =	ssettag $0x1  }
0x1: {  	s5 =	rddreg [dreg:$0x0]  }
0x2: {  	s1 =	rddreg [dreg:$0x1]  }
0x3: {  	s0 =	srdreg.scid;
	s2 =	stileid.u32  }
0x4: {  	s3 =	rddreg [dreg:$0x2];
	s13 =	smul.u32 $0x2800, s2  }
0x5: {  	s4 =	simm.s32 $0x0;
	s12 =	simm.s32 $0x28;
	s9 =	smul.u32 $0x7D0, s2  }
0x6: {  	s6 =	sand.u32 $0x1, s0;
	s0 =	rddreg [dreg:$0x3];
	s11 =	smul.u32 $0x50000, s2  }
0x7: {  	[smem:$0x7FF] =	sst s4;
	s31 =	sshll.u32 s2, $0x6;
	s7 =	smul.u32 $0x7D00, s6  }
0x8: {  	s8 =	smul.u32 $0x28000, s6;
	_ =	strace $0x80000047;
	s6 =	ssub.s32 $0x2, s6  }
0x9: {  	s10 =	sadd.s32 s13, s5;
	s28 =	sshrl.u32 s6, $0x1;
	s30 =	sshrl.u32 s11, $0x2  }
0xa: {  	s7 =	sadd.s32 s7, s5;
	s8 =	sadd.s32 s8, s5;
	s29 =	ssub.s32 s6, s28  }
0xb: {  	s11 =	sadd.s32 s30, s3;
	s6 =	sadd.s32 $0x11C00, s10;
	s10 =	sor.u32 $0x1C01, s31  }
0xc: {  	s7 =	sadd.s32 s9, s7;
	s14 =	sadd.s32 $0x39C00, s8;
	s8 =	simm.s32 $0x1  }
0xd: {  	s9 =	simm.s32 $0x3E80;
	s11 =	sshrl.u32 s11, $0x3;
	s5 =	sadd.s32 $0x2200, s7  }
0xe: {  	s7 =	smax.u32 s29, $0x1;
	s13 =	sadd.s32 s13, s14;
	s14 =	simm.s32 $0x0  }
.LBB2_1:
0xf: {  	[tilespmem:s4], [sflag:$0x1] =	stream.linear.gather [hbm4b:s5+s4], $0x3E80, $0x38;
	[tilespmem:$0x19280] =	vst v63  }
0x10: {  	_ =	swait.ge [sflag:s8], $0x3E80  }
0x11: {  	[sflag:s8] =	ssyncset.done $0x0  }
0x12: {  	[sflag:s8] =	ssyncadd.s32 $0xFFFFC180  }
0x13: {  	[tilespmem:s9], [sflag:$0x1] =	stream.linear.gather [hbm4b:s1+s4], $0x1400, $0x38;
	[tilespmem:$0x19280] =	vst v63  }
0x14: {  	_ =	swait.ge [sflag:s8], $0x1400  }
0x15: {  	[sflag:s8] =	ssyncset.done $0x0  }
0x16: {  	[sflag:s8] =	ssyncadd.s32 $0xFFFFEC00  }
0x17: {  	[spmem:s11], [sflag:s10] =	dma.local [hbm:s6], $0x2800  }
0x18: {  	_ =	swait.ge [sflag:s8], $0x2800  }
0x19: {  	[sflag:s8] =	ssyncset.done $0x0  }
0x1a: {  	[sflag:s8] =	ssyncadd.s32 $0xFFFFD800  }
0x1b: {  	s15 =	simm.s32 $0x0;
	[bflag:$0x0] =	sbarrier.arrive $0xFFFF  }
0x1c: {  	[spmem:s3] =	stream.indirect.scatter.add.f32 [tilespmem:s9], [sflag:$0x1], $0x80, s15, s12, $0xb8;
	[tilespmem:$0x19280] =	vst v63  }
0x1d: {  	_ =	swait.ge [sflag:s8], $0x1400  }
0x1e: {  	s15 =	simm.s32 $0x200;
	[sflag:s8] =	ssyncset.done $0x0  }
.LBB2_2:
0x1f: {  	s16 =	sshra.s32 s15, $0x2;
	[sflag:s8] =	ssyncadd.s32 $0xFFFFEC00;
	p0 =	sne.s32 s15, $0xF800  }
0x20: {  	[spmem:s3] =	stream.indirect.scatter.add.f32 [tilespmem:s9], [sflag:$0x1], $0x80, s16, s12, $0xb8;
	[tilespmem:$0x19280] =	vst v63  }
.Ltmp0:
0x21: {  	_ = 	snop;
	(pc) =	sbr.rel @p0 .LBB2_2-.Ltmp0, $4  }
0x22: {  	_ = 	snop  }
0x23: {  	s15 =	sadd.s32 $0x200, s15  }
0x24: {  	_ =	swait.ge [sflag:s8], $0x1400  }
0x25: {  	[sflag:s8] =	ssyncset.done $0x0  }
0x26: {  	s14 =	sadd.s32 $0x1, s14  }
0x27: {  	[sflag:s8] =	ssyncadd.s32 $0xFFFFEC00;
	p0 =	sne.s32 s14, s7  }
.Ltmp1:
0x28: {  	[bflag:$0x0] =	sbarrier.arrive $0xFFFF;
	(pc) =	sbr.rel @p0 .LBB2_1-.Ltmp1, $4  }
0x29: {  	[hbm:s13], [sflag:s10] =	dma.local [spmem:s11], $0x2800  }
0x2a: {  	_ =	swait.ge [sflag:s8], $0x2800  }
0x2b: {  	[sflag:s8] =	ssyncset.done $0x0  }
0x2c: {  	[sflag:s8] =	ssyncadd.s32 $0xFFFFD800  }
0x2d: {  	_ =	sfence.sel $0x180000  }
0x2e: {  	[bflag:$0x0] =	sbarrier.arrive $0xFFFF  }
0x2f: {  	p0 =	sne.s32 s2, $0x0;
	_ =	strace $0x90000047  }
0x30: {  	s0 =	sadd.s32 @!p0 $0x100000, s0;
	[bflag:$0x2] =	sbarrier.arrive $0xFFFF  }
0x31: {  	[sflag:s0] =	ssyncadd.tile.s32 @!p0 $0x1;
	_ =	shalt  }
.Lfunc_end2:
_tile_overlayer_lowered:
.L_overlay_start_2:
0x32: {  	(tag) =	ssettag $0x2  }
0x33: {  	s0 =	rddreg [dreg:$0x0];
	s2 =	stileid.u32  }
0x34: {  	s1 =	rddreg [dreg:$0x1];
	p0 =	sne.s32 s2, $0x0  }
0x35: {  	s3 =	rddreg [dreg:$0x2];
	[bflag:$0x3] =	sbarrier.arrive $0xFFFF;
	s2 =	simm.s32 @!p0 $0x1C01  }
0x36: {  	[timem:s3], [sflag:s2] =	dma.local @!p0 [hbm:s0], s1  }
0x37: {  	s0 =	simm.s32 @!p0 $0x1  }
0x38: {  	_ =	swait.ge @!p0 [sflag:s0], s1  }
0x39: {  	s1 =	ssub.s32 @!p0 $0x0, s1;
	[sflag:s0] =	ssyncset.done @!p0 $0x0  }
0x3a: {  	[sflag:s0] =	ssyncadd.s32 @!p0 s1  }
0x3b: {  	[bflag:$0x3] =	sbarrier.arrive $0xFFFF  }
0x3c: {  	_ =	shalt  }

// kernel: kernel.17.cloned.1.call-start
scs
__scs_entry_jumppad:
0x0: {  	(pc) =	sbr.rel $0x88, $3  }
0x1: {  	(tag) =	ssettag $0x0;
	lr =	simm.s32 $0x1  }
0x2: {  	[smem:$0x3F99] =	sst lr;
	_ =	strace $0xD0000000  }
0x3: {  	_ = 	snop  }
0x4: {  	_ = 	snop  }
0x5: {  	_ = 	snop  }
0x6: {  	_ = 	snop  }
0x7: {  	_ = 	snop  }
__scs_overlays_trampoline_lowered:
0x8: {  	[smem:$0x3FA8] =	sst s0  }
0x9: {  	[smem:$0x3FA9] =	sst s1  }
0xa: {  	[smem:$0x3FAA] =	sst s2  }
0xb: {  	[smem:$0x3FAB] =	sst s3  }
0xc: {  	[smem:$0x3FAC] =	sst s4  }
0xd: {  	[smem:$0x3FAD] =	sst s5  }
0xe: {  	[smem:$0x3FAE] =	sst s6  }
0xf: {  	[smem:$0x3FAF] =	sst s7  }
0x10: {  	[smem:$0x3FB0] =	sst s8  }
0x11: {  	[smem:$0x3FB1] =	sst s9;
	s0 =	simm.s32 @!p0 $0x0  }
0x12: {  	s1 =	sld [smem:$0x3F97];
	s0 =	simm.s32 @p0 $0x1  }
0x13: {  	[smem:$0x3FB2] =	sst s0;
	s0 =	simm.s32 @!p1 $0x0  }
0x14: {  	s2 =	sld [smem:$0x3F96];
	s0 =	simm.s32 @p1 $0x1  }
0x15: {  	[smem:$0x3FB3] =	sst s0;
	s0 =	simm.s32 @!p2 $0x0  }
0x16: {  	s3 =	sld [smem:$0x3FDB];
	s0 =	simm.s32 @p2 $0x1  }
0x17: {  	s4 =	simm.s32 $0x1BF5;
	[smem:$0x3FB5] =	sst s0  }
0x18: {  	s0 =	sld [smem:$0x3F98];
	_ =	swait.ge [sflag:s4], $0x0  }
0x19: {  	s7 =	sld [smem:$0x3F99]  }
0x1a: {  	s8 =	sadd.s32 $0xFFFFE003, lr  }
0x1b: {  	s9 =	sadd.s32 $0xFFFFFEF7, lr;
	s5 =	simm.s32 $0xFFFFFFFF;
	p2 =	slt.u32 s8, $0xFFFFF086  }
0x1c: {  	p1 =	slt.u32 s9, $0xF7A;
	s5 =	simm.s32 @!p2 $0x0  }
0x1d: {  	s5 =	simm.s32 @p1 $0x1;
	p0 =	seq.s32 s7, s2  }
0x1e: {  	s7 =	smul.u32 @!p0 $0xF7A, s2;
	p2 =	seq.s32 @!p0 s5, $0x0  }
0x1f: {  	s9 =	smul.u32 $0xF7A, s1;
	s8 =	simm.s32 @!p0 $0x1BF5;
	p2 =	por !p2, p0  }
0x20: {  	[sflag:s8] =	ssyncset.s32 @!p0 $0xFFFFF086;
	s6 =	sadd.s32 @!p0 s3, s7;
	s7 =	simm.s32 @!p0 $0x108  }
0x21: {  	s3 =	sadd.s32 s3, s9;
	s6 =	sadd.s32 @!p0 $0x88, s6;
	s7 =	simm.s32 @p2 $0x1082  }
0x22: {  	[simem:s7], [sflag:s8] =	dma.local @!p0 [hbm:s6], $0xF7A  }
0x23: {  	s9 =	sor.u32 $0xD0000000, s2;
	s6 =	simm.s32 $0x108;
	_ =	swait.ge @!p0 [sflag:s8], $0x0  }
0x24: {  	s3 =	sadd.s32 $0x88, s3;
	s6 =	simm.s32 @!p1 $0x1082;
	[sflag:s4] =	ssyncset.s32 $0xFFFFF086  }
0x25: {  	[simem:s6], [sflag:s4] =	dma.local [hbm:s3], $0xF7A  }
0x26: {  	[smem:$0x3F99] =	sst s1;
	(tag) =	ssettag s2;
	_ =	strace s9  }
0x27: {  	s1 =	sld [smem:$0x3FA9]  }
0x28: {  	s2 =	sld [smem:$0x3FAA]  }
0x29: {  	s4 =	sld [smem:$0x3FAC]  }
0x2a: {  	p0 =	seq.s32 s5, $0x0;
	s5 =	sld [smem:$0x3FAD]  }
0x2b: {  	s6 =	sld [smem:$0x3FAE]  }
0x2c: {  	s7 =	sld [smem:$0x3FAF]  }
0x2d: {  	s3 =	simm.s32 $0x108;
	s8 =	sld [smem:$0x3FB0]  }
0x2e: {  	s3 =	simm.s32 @!p0 $0x1082;
	s9 =	sld [smem:$0x3FB1]  }
0x2f: {  	lr =	sadd.s32 s0, s3;
	s0 =	sld [smem:$0x3FA8]  }
0x30: {  	s3 =	sld [smem:$0x3FAB]  }
0x31: {  	[smem:$0x3FB4] =	sst s10  }
0x32: {  	s10 =	sld [smem:$0x3FB2];
	_ =	sdelay $0x3  }
0x33: {  	p0 =	seq.s32 s10, $0x1;
	s10 =	sld [smem:$0x3FB4];
	_ =	sdelay $0x3  }
0x34: {  	[smem:$0x3FB4] =	sst s10  }
0x35: {  	s10 =	sld [smem:$0x3FB3];
	_ =	sdelay $0x3  }
0x36: {  	p1 =	seq.s32 s10, $0x1;
	s10 =	sld [smem:$0x3FB4];
	_ =	sdelay $0x3  }
0x37: {  	[smem:$0x3FB4] =	sst s10  }
0x38: {  	s10 =	sld [smem:$0x3FB5]  }
0x39: {  	_ = 	snop;
	(pc) =	sbr.ind lr, $3  }
0x3a: {  	_ = 	snop  }
0x3b: {  	_ = 	snop  }
0x3c: {  	p2 =	seq.s32 s10, $0x1;
	s10 =	sld [smem:$0x3FB4]  }
0x3d: {  	_ =	shalt  }
0x3e: {  	_ =	shalt  }
0x3f: {  	_ =	shalt  }
0x40: {  	_ =	shalt  }
0x41: {  	_ =	shalt  }
0x42: {  	_ =	shalt  }
0x43: {  	_ =	shalt  }
0x44: {  	_ =	shalt  }
0x45: {  	_ =	shalt  }
0x46: {  	_ =	shalt  }
0x47: {  	_ =	shalt  }
0x48: {  	_ =	shalt  }
0x49: {  	_ =	shalt  }
0x4a: {  	_ =	shalt  }
0x4b: {  	_ =	shalt  }
0x4c: {  	_ =	shalt  }
0x4d: {  	_ =	shalt  }
0x4e: {  	_ =	shalt  }
0x4f: {  	_ =	shalt  }
0x50: {  	_ =	shalt  }
0x51: {  	_ =	shalt  }
0x52: {  	_ =	shalt  }
0x53: {  	_ =	shalt  }
0x54: {  	_ =	shalt  }
0x55: {  	_ =	shalt  }
0x56: {  	_ =	shalt  }
0x57: {  	_ =	shalt  }
0x58: {  	_ =	shalt  }
0x59: {  	_ =	shalt  }
0x5a: {  	_ =	shalt  }
0x5b: {  	_ =	shalt  }
0x5c: {  	_ =	shalt  }
0x5d: {  	_ =	shalt  }
0x5e: {  	_ =	shalt  }
0x5f: {  	_ =	shalt  }
0x60: {  	_ =	shalt  }
0x61: {  	_ =	shalt  }
0x62: {  	_ =	shalt  }
0x63: {  	_ =	shalt  }
0x64: {  	_ =	shalt  }
0x65: {  	_ =	shalt  }
0x66: {  	_ =	shalt  }
0x67: {  	_ =	shalt  }
0x68: {  	_ =	shalt  }
0x69: {  	_ =	shalt  }
0x6a: {  	_ =	shalt  }
0x6b: {  	_ =	shalt  }
0x6c: {  	_ =	shalt  }
0x6d: {  	_ =	shalt  }
0x6e: {  	_ =	shalt  }
0x6f: {  	_ =	shalt  }
0x70: {  	_ =	shalt  }
0x71: {  	_ =	shalt  }
0x72: {  	_ =	shalt  }
0x73: {  	_ =	shalt  }
0x74: {  	_ =	shalt  }
0x75: {  	_ =	shalt  }
0x76: {  	_ =	shalt  }
0x77: {  	_ =	shalt  }
0x78: {  	_ =	shalt  }
0x79: {  	_ =	shalt  }
0x7a: {  	_ =	shalt  }
0x7b: {  	_ =	shalt  }
0x7c: {  	_ =	shalt  }
0x7d: {  	_ =	shalt  }
0x7e: {  	_ =	shalt  }
0x7f: {  	_ =	shalt  }
0x80: {  	_ =	shalt  }
0x81: {  	_ =	shalt  }
0x82: {  	_ =	shalt  }
0x83: {  	_ =	shalt  }
0x84: {  	_ =	shalt  }
0x85: {  	_ =	shalt  }
0x86: {  	_ =	shalt  }
0x87: {  	_ =	shalt  }
.Lfunc_end0:
.L_simem_size_0:
called_computation.1_lowered:
.L_overlay_start_0:
0x88: {  	s2 =	sld [smem:$0x3FD9]  }
0x89: {  	s3 =	sld [smem:$0x3FFE];
	_ =	sdelay $0x1  }
0x8a: {  	s1 =	srdreg.scid  }
0x8b: {  	s0 =	sand.u32 $0x1, s1  }
0x8c: {  	s16 =	sshll.u32 s0, $0xA;
	s2 =	sadd.s32 s3, s2  }
0x8d: {  	s2 =	sadd.s32 s2, s16  }
0x8e: {  	[smem:$0x3FC0] =	sst s2  }
0x8f: {  	_ = 	snop  }
0x90: {  	(tm) =	ssettm $0x1  }
0x91: {  	s17 =	sld [smem:$0x3FFB];
	_ =	sdelay $0x3  }
0x92: {  	_ =	strace s17  }
0x93: {  	s2 =	sld [smem:$0x3FFC];
	_ =	sdelay $0x3  }
0x94: {  	_ =	strace s2  }
0x95: {  	s2 =	sld [smem:$0x3FFD];
	_ =	sdelay $0x3  }
0x96: {  	_ =	strace s2  }
0x97: {  	_ =	strace $0x8FFFFFFF  }
0x98: {  	s18 =	sld [smem:$0x3FDB];
	_ =	sdelay $0x1  }
0x99: {  	s19 =	simm.s32 $_scs_section_size  }
0x9a: {  	s4 =	simm.s32 $_size__tile_overlayer_lowered;
	s5 =	simm.s32 $_tile_overlayer_lowered  }
0x9b: {  	s22 =	simm.s32 $0x1BFF;
	s21 =	sshll.u32 s5, $0x1;
	s2 =	sadd.s32 s19, s18  }
0x9c: {  	s6 =	simm.s32 $0x0;
	s20 =	sshll.u32 s4, $0x1;
	s4 =	sadd.s32 s21, s2  }
0x9d: {  	[timem:s6], [sflag:s22] =	dma.local [hbm:s4], s20  }
0x9e: {  	_ =	swait.ge [sflag:s22], s20  }
0x9f: {  	s3 =	ssub.s32 $0x0, s20;
	[sflag:s22] =	ssyncset.done $0x0  }
0xa0: {  	[sflag:s22] =	ssyncadd.s32 s3;
	_ =	sdelay $0x1  }
0xa1: {  	s23 =	simm.s32 $0x1B8B  }
0xa2: {  	_ =	swait.ge [sflag:s23], $0x1  }
0xa3: {  	[sflag:s23] =	ssyncset.done $0x0  }
0xa4: {  	s25 =	simm.s32 $0x1B8E;
	s24 =	sld [smem:$0x3FFE];
	[sflag:s23] =	ssyncadd.s32 $0xFFFFFFFF  }
0xa5: {  	s26 =	simm.s32 $execute0_lowered;
	[smem:$0x3FD2] =	sst s25  }
0xa6: {  	s4 =	sshll.u32 s26, $0x1;
	_ =	strace $0x80000049;
	[dreg:$0x1] =	wrdreg $0xFFFFFFFF  }
0xa7: {  	s28 =	simm.s32 $_size_execute0_lowered;
	s2 =	sadd.s32 s2, s4;
	[dreg:$0x0] =	wrdreg $0x0  }
0xa8: {  	s4 =	sshll.u32 s28, $0x1;
	[dreg:$0x2] =	wrdreg s2  }
0xa9: {  	[dreg:$0x3] =	wrdreg s4  }
0xaa: {  	[dreg:$0x4] =	wrdreg $0xC0  }
0xab: {  	_ =	task [dreg:s6], $0x5FFFF  }
0xac: {  	[dreg:$0x1] =	wrdreg $0xFFFFFFFF  }
0xad: {  	[dreg:$0x0] =	wrdreg $0x60  }
0xae: {  	[dreg:$0x2] =	wrdreg s24  }
0xaf: {  	[dreg:$0x3] =	wrdreg $0xA6800  }
0xb0: {  	[dreg:$0x4] =	wrdreg $0x9  }
0xb1: {  	_ =	task.clear_ibuf [dreg:s6], $0x5FFFF;
	_ =	strace $0x90000049  }
0xb2: {  	s29 =	simm.s32 $0x9;
	_ =	strace $0x8000004B  }
0xb3: {  	_ =	swait.ge [sflag:s29], $0x1  }
0xb4: {  	[sflag:s29] =	ssyncadd.s32 $0xFFFFFFFF  }
0xb5: {  	_ =	strace $0x9000004B  }
0xb6: {  	_ =	sfence  }
0xb7: {  	s30 =	sld [smem:$0x0];
	_ =	sdelay $0x2  }
0xb8: {  	s31 =	sshll.u32 s1, $0xD;
	s1 =	sshrl.u32 s1, $0x2  }
0xb9: {  	s3 =	sand.u32 $0x4000, s31;
	s1 =	sadd.s32 s1, s30  }
0xba: {  	s0 =	sor.u32 s3, s0;
	s1 =	sshll.u32 s1, $0x11  }
0xbb: {  	s0 =	sor.u32 s1, s0  }
0xbc: {  	s0 =	sadd.s32 $0x8F2B, s0  }
0xbd: {  	[sflag:s0] =	ssyncadd.remote.s32 $0x1  }
0xbe: {  	_ =	sfence.sel $0xFFFF  }
0xbf: {  	[dreg:$0x0] =	wrdreg $0xFFFFFFFF;
	(pc) =	sbr.abs _section_cstart, $3  }
0xc0: {  	[dreg:$0x1] =	wrdreg $0xFFFFFFFF  }
0xc1: {  	_ =	task.clear_ibuf [dreg:s6], $0x2FFFF;
	_ =	strace $0x9FFFFFFF  }
0xc2: {  	(tm) =	ssettm $0x7FFFFFFF  }
0xc3: {  	_ =	shalt  }
tec
execute0_lowered:
.L_overlay_start_1:
0x0: {  	(tag) =	ssettag $0x1  }
0x1: {  	s4 =	rddreg [dreg:$0x0]  }
0x2: {  	s2 =	rddreg [dreg:$0x1]  }
0x3: {  	s0 =	rddreg [dreg:$0x2]  }
0x4: {  	s3 =	simm.s32 $0x0;
	s1 =	stileid.u32;
	s6 =	srdreg.scid  }
0x5: {  	s13 =	simm.s32 $0x50;
	s14 =	simm.s32 $0x7E80;
	s5 =	smul.u32 $0x7D0, s1  }
0x6: {  	s15 =	simm.s32 $0x1;
	[smem:$0x7FF] =	sst s3;
	s16 =	smul.u32 $0x2800, s1  }
0x7: {  	s7 =	sshll.u32 s1, $0xB;
	s6 =	sand.u32 $0x1, s6;
	s10 =	smul.u32 $0x50000, s1  }
0x8: {  	s31 =	sshll.u32 s1, $0x6;
	_ =	strace $0x8000004A;
	s7 =	sadd.s32 s7, s4  }
0x9: {  	s8 =	smul.u32 $0x28000, s6;
	s6 =	ssub.s32 $0x2, s6;
	s5 =	sadd.s32 s5, s4  }
0xa: {  	s9 =	sshrl.u32 s6, $0x1;
	s11 =	sadd.s32 s16, s4;
	s30 =	sshrl.u32 s10, $0x2  }
0xb: {  	s10 =	simm.s32 $0x4000;
	s8 =	sadd.s32 s8, s4;
	s9 =	ssub.s32 s6, s9  }
0xc: {  	s4 =	sadd.s32 $0xE1A00, s7;
	s5 =	sadd.s32 $0x89C00, s5;
	s12 =	sadd.s32 s30, s2  }
0xd: {  	s6 =	sadd.s32 $0x11C00, s11;
	s11 =	sor.u32 $0x1C02, s31;
	s7 =	sadd.s32 $0x39C00, s8  }
0xe: {  	s17 =	sadd.s32 $0x91A00, s8;
	s8 =	smax.u32 s9, $0x1;
	s9 =	simm.s32 $0x2  }
0xf: {  	s12 =	sshrl.u32 s12, $0x3;
	s16 =	sadd.s32 s16, s17;
	s17 =	simm.s32 $0x0  }
.LBB2_1:
0x10: {  	[tilespmem:s3], [sflag:$0x2] =	stream.linear.gather [hbm4b:s4+s3], $0x3E80, $0x38;
	[tilespmem:$0x1E680] =	vst v63  }
0x11: {  	_ =	swait.ge [sflag:s9], $0x3E80  }
0x12: {  	[sflag:s9] =	ssyncset.done $0x0  }
0x13: {  	[sflag:s9] =	ssyncadd.s32 $0xFFFFC180  }
0x14: {  	[tilespmem:s10], [sflag:$0x2] =	stream.linear.gather [hbm4b:s5+s3], $0x3E80, $0x38;
	[tilespmem:$0x1E680] =	vst v63  }
0x15: {  	_ =	swait.ge [sflag:s9], $0x3E80  }
0x16: {  	[sflag:s9] =	ssyncset.done $0x0  }
0x17: {  	[sflag:s9] =	ssyncadd.s32 $0xFFFFC180  }
0x18: {  	[spmem:s12], [sflag:s11] =	dma.local [hbm:s6], $0x2800  }
0x19: {  	_ =	swait.ge [sflag:s9], $0x2800  }
0x1a: {  	[sflag:s9] =	ssyncset.done $0x0  }
0x1b: {  	[sflag:s9] =	ssyncadd.s32 $0xFFFFD800  }
0x1c: {  	s18 =	simm.s32 $0x0;
	[bflag:$0x0] =	sbarrier.arrive $0xFFFF  }
0x1d: {  	[tilespmem:s14], [sflag:$0x1] =	stream.indirect.gather [hbm4b:s7+s13], $0x80, s18, s13, $0xb8;
	[tilespmem:$0x1E680] =	vst v63  }
0x1e: {  	_ =	swait.ge [sflag:s15], $0x2800  }
0x1f: {  	[sflag:s15] =	ssyncset.done $0x0  }
0x20: {  	s31 =	simm.s32 $0x4000;
	[sflag:s15] =	ssyncadd.s32 $0xFFFFD800  }
0x21: {  	[spmem:s2] =	stream.indirect.scatter.add.f32 [tilespmem:s14], [sflag:$0x2], $0x80, s31, s13, $0xb8;
	[tilespmem:$0x1E680] =	vst v63  }
0x22: {  	_ =	swait.ge [sflag:s9], $0x2800  }
0x23: {  	s19 =	simm.s32 $0x400;
	s18 =	simm.s32 $0x200;
	[sflag:s9] =	ssyncset.done $0x0  }
.LBB2_2:
0x24: {  	s20 =	sshra.s32 s18, $0x2  }
0x25: {  	[sflag:s9] =	ssyncadd.s32 $0xFFFFD800;
	s18 =	smov.u32 s19;
	s21 =	sadd.s32 $0x200, s19  }
0x26: {  	[tilespmem:s14], [sflag:$0x1] =	stream.indirect.gather [hbm4b:s7+s13], $0x80, s20, s13, $0xb8;
	[tilespmem:$0x1E680] =	vst v63  }
0x27: {  	p0 =	sne.s32 s19, $0xF800;
	_ =	swait.ge [sflag:s15], $0x2800  }
.Ltmp0:
0x28: {  	[sflag:s15] =	ssyncset.done $0x0;
	(pc) =	sbr.rel @p0 .LBB2_2-.Ltmp0, $4  }
0x29: {  	s19 =	sadd.s32 $0x4000, s20;
	[sflag:s15] =	ssyncadd.s32 $0xFFFFD800  }
0x2a: {  	[spmem:s2] =	stream.indirect.scatter.add.f32 [tilespmem:s14], [sflag:$0x2], $0x80, s19, s13, $0xb8;
	[tilespmem:$0x1E680] =	vst v63  }
0x2b: {  	_ =	swait.ge [sflag:s9], $0x2800  }
0x2c: {  	s19 =	smov.u32 s21;
	[sflag:s9] =	ssyncset.done $0x0  }
0x2d: {  	s18 =	sshra.s32 s18, $0x2;
	[sflag:s9] =	ssyncadd.s32 $0xFFFFD800  }
0x2e: {  	[tilespmem:s14], [sflag:$0x1] =	stream.indirect.gather [hbm4b:s7+s13], $0x80, s18, s13, $0xb8;
	[tilespmem:$0x1E680] =	vst v63  }
0x2f: {  	_ =	swait.ge [sflag:s15], $0x2800  }
0x30: {  	[sflag:s15] =	ssyncset.done $0x0  }
0x31: {  	s18 =	sadd.s32 $0x4000, s18;
	[sflag:s15] =	ssyncadd.s32 $0xFFFFD800  }
0x32: {  	[spmem:s2] =	stream.indirect.scatter.add.f32 [tilespmem:s14], [sflag:$0x2], $0x80, s18, s13, $0xb8;
	[tilespmem:$0x1E680] =	vst v63  }
0x33: {  	_ =	swait.ge [sflag:s9], $0x2800  }
0x34: {  	s17 =	sadd.s32 $0x1, s17;
	[sflag:s9] =	ssyncset.done $0x0  }
0x35: {  	p0 =	sne.s32 s17, s8;
	[sflag:s9] =	ssyncadd.s32 $0xFFFFD800  }
.Ltmp1:
0x36: {  	[bflag:$0x0] =	sbarrier.arrive $0xFFFF;
	(pc) =	sbr.rel @p0 .LBB2_1-.Ltmp1, $4  }
0x37: {  	[hbm:s16], [sflag:s11] =	dma.local [spmem:s12], $0x2800  }
0x38: {  	_ =	swait.ge [sflag:s9], $0x2800  }
0x39: {  	[sflag:s9] =	ssyncset.done $0x0  }
0x3a: {  	[sflag:s9] =	ssyncadd.s32 $0xFFFFD800  }
0x3b: {  	_ =	sfence.sel $0x180000  }
0x3c: {  	[bflag:$0x0] =	sbarrier.arrive $0xFFFF  }
0x3d: {  	p0 =	sne.s32 s1, $0x0;
	_ =	strace $0x9000004A  }
0x3e: {  	s0 =	sadd.s32 @!p0 $0x100000, s0;
	[bflag:$0x2] =	sbarrier.arrive $0xFFFF  }
0x3f: {  	[sflag:s0] =	ssyncadd.tile.s32 @!p0 $0x1;
	_ =	shalt  }
.Lfunc_end2:
_tile_overlayer_lowered:
.L_overlay_start_2:
0x40: {  	(tag) =	ssettag $0x2  }
0x41: {  	s0 =	rddreg [dreg:$0x0];
	s2 =	stileid.u32  }
0x42: {  	s1 =	rddreg [dreg:$0x1];
	p0 =	sne.s32 s2, $0x0  }
0x43: {  	s3 =	rddreg [dreg:$0x2];
	[bflag:$0x3] =	sbarrier.arrive $0xFFFF;
	s2 =	simm.s32 @!p0 $0x1C02  }
0x44: {  	[timem:s3], [sflag:s2] =	dma.local @!p0 [hbm:s0], s1  }
0x45: {  	s0 =	simm.s32 @!p0 $0x2  }
0x46: {  	_ =	swait.ge @!p0 [sflag:s0], s1  }
0x47: {  	s1 =	ssub.s32 @!p0 $0x0, s1;
	[sflag:s0] =	ssyncset.done @!p0 $0x0  }
0x48: {  	[sflag:s0] =	ssyncadd.s32 @!p0 s1  }
0x49: {  	[bflag:$0x3] =	sbarrier.arrive $0xFFFF  }
0x4a: {  	_ =	shalt  }

// kernel: kernel.20.cloned.1.call-start
scs
__scs_entry_jumppad:
0x0: {  	(pc) =	sbr.rel $0x88, $3  }
0x1: {  	(tag) =	ssettag $0x0;
	lr =	simm.s32 $0x1  }
0x2: {  	[smem:$0x3F99] =	sst lr;
	_ =	strace $0xD0000000  }
0x3: {  	_ = 	snop  }
0x4: {  	_ = 	snop  }
0x5: {  	_ = 	snop  }
0x6: {  	_ = 	snop  }
0x7: {  	_ = 	snop  }
__scs_overlays_trampoline_lowered:
0x8: {  	[smem:$0x3FA8] =	sst s0  }
0x9: {  	[smem:$0x3FA9] =	sst s1  }
0xa: {  	[smem:$0x3FAA] =	sst s2  }
0xb: {  	[smem:$0x3FAB] =	sst s3  }
0xc: {  	[smem:$0x3FAC] =	sst s4  }
0xd: {  	[smem:$0x3FAD] =	sst s5  }
0xe: {  	[smem:$0x3FAE] =	sst s6  }
0xf: {  	[smem:$0x3FAF] =	sst s7  }
0x10: {  	[smem:$0x3FB0] =	sst s8  }
0x11: {  	[smem:$0x3FB1] =	sst s9;
	s0 =	simm.s32 @!p0 $0x0  }
0x12: {  	s1 =	sld [smem:$0x3F97];
	s0 =	simm.s32 @p0 $0x1  }
0x13: {  	[smem:$0x3FB2] =	sst s0;
	s0 =	simm.s32 @!p1 $0x0  }
0x14: {  	s2 =	sld [smem:$0x3F96];
	s0 =	simm.s32 @p1 $0x1  }
0x15: {  	[smem:$0x3FB3] =	sst s0;
	s0 =	simm.s32 @!p2 $0x0  }
0x16: {  	s3 =	sld [smem:$0x3FDB];
	s0 =	simm.s32 @p2 $0x1  }
0x17: {  	s4 =	simm.s32 $0x1BF5;
	[smem:$0x3FB5] =	sst s0  }
0x18: {  	s0 =	sld [smem:$0x3F98];
	_ =	swait.ge [sflag:s4], $0x0  }
0x19: {  	s7 =	sld [smem:$0x3F99]  }
0x1a: {  	s8 =	sadd.s32 $0xFFFFE003, lr  }
0x1b: {  	s9 =	sadd.s32 $0xFFFFFEF7, lr;
	s5 =	simm.s32 $0xFFFFFFFF;
	p2 =	slt.u32 s8, $0xFFFFF086  }
0x1c: {  	p1 =	slt.u32 s9, $0xF7A;
	s5 =	simm.s32 @!p2 $0x0  }
0x1d: {  	s5 =	simm.s32 @p1 $0x1;
	p0 =	seq.s32 s7, s2  }
0x1e: {  	s7 =	smul.u32 @!p0 $0xF7A, s2;
	p2 =	seq.s32 @!p0 s5, $0x0  }
0x1f: {  	s9 =	smul.u32 $0xF7A, s1;
	s8 =	simm.s32 @!p0 $0x1BF5;
	p2 =	por !p2, p0  }
0x20: {  	[sflag:s8] =	ssyncset.s32 @!p0 $0xFFFFF086;
	s6 =	sadd.s32 @!p0 s3, s7;
	s7 =	simm.s32 @!p0 $0x108  }
0x21: {  	s3 =	sadd.s32 s3, s9;
	s6 =	sadd.s32 @!p0 $0x88, s6;
	s7 =	simm.s32 @p2 $0x1082  }
0x22: {  	[simem:s7], [sflag:s8] =	dma.local @!p0 [hbm:s6], $0xF7A  }
0x23: {  	s9 =	sor.u32 $0xD0000000, s2;
	s6 =	simm.s32 $0x108;
	_ =	swait.ge @!p0 [sflag:s8], $0x0  }
0x24: {  	s3 =	sadd.s32 $0x88, s3;
	s6 =	simm.s32 @!p1 $0x1082;
	[sflag:s4] =	ssyncset.s32 $0xFFFFF086  }
0x25: {  	[simem:s6], [sflag:s4] =	dma.local [hbm:s3], $0xF7A  }
0x26: {  	[smem:$0x3F99] =	sst s1;
	(tag) =	ssettag s2;
	_ =	strace s9  }
0x27: {  	s1 =	sld [smem:$0x3FA9]  }
0x28: {  	s2 =	sld [smem:$0x3FAA]  }
0x29: {  	s4 =	sld [smem:$0x3FAC]  }
0x2a: {  	p0 =	seq.s32 s5, $0x0;
	s5 =	sld [smem:$0x3FAD]  }
0x2b: {  	s6 =	sld [smem:$0x3FAE]  }
0x2c: {  	s7 =	sld [smem:$0x3FAF]  }
0x2d: {  	s3 =	simm.s32 $0x108;
	s8 =	sld [smem:$0x3FB0]  }
0x2e: {  	s3 =	simm.s32 @!p0 $0x1082;
	s9 =	sld [smem:$0x3FB1]  }
0x2f: {  	lr =	sadd.s32 s0, s3;
	s0 =	sld [smem:$0x3FA8]  }
0x30: {  	s3 =	sld [smem:$0x3FAB]  }
0x31: {  	[smem:$0x3FB4] =	sst s10  }
0x32: {  	s10 =	sld [smem:$0x3FB2];
	_ =	sdelay $0x3  }
0x33: {  	p0 =	seq.s32 s10, $0x1;
	s10 =	sld [smem:$0x3FB4];
	_ =	sdelay $0x3  }
0x34: {  	[smem:$0x3FB4] =	sst s10  }
0x35: {  	s10 =	sld [smem:$0x3FB3];
	_ =	sdelay $0x3  }
0x36: {  	p1 =	seq.s32 s10, $0x1;
	s10 =	sld [smem:$0x3FB4];
	_ =	sdelay $0x3  }
0x37: {  	[smem:$0x3FB4] =	sst s10  }
0x38: {  	s10 =	sld [smem:$0x3FB5]  }
0x39: {  	_ = 	snop;
	(pc) =	sbr.ind lr, $3  }
0x3a: {  	_ = 	snop  }
0x3b: {  	_ = 	snop  }
0x3c: {  	p2 =	seq.s32 s10, $0x1;
	s10 =	sld [smem:$0x3FB4]  }
0x3d: {  	_ =	shalt  }
0x3e: {  	_ =	shalt  }
0x3f: {  	_ =	shalt  }
0x40: {  	_ =	shalt  }
0x41: {  	_ =	shalt  }
0x42: {  	_ =	shalt  }
0x43: {  	_ =	shalt  }
0x44: {  	_ =	shalt  }
0x45: {  	_ =	shalt  }
0x46: {  	_ =	shalt  }
0x47: {  	_ =	shalt  }
0x48: {  	_ =	shalt  }
0x49: {  	_ =	shalt  }
0x4a: {  	_ =	shalt  }
0x4b: {  	_ =	shalt  }
0x4c: {  	_ =	shalt  }
0x4d: {  	_ =	shalt  }
0x4e: {  	_ =	shalt  }
0x4f: {  	_ =	shalt  }
0x50: {  	_ =	shalt  }
0x51: {  	_ =	shalt  }
0x52: {  	_ =	shalt  }
0x53: {  	_ =	shalt  }
0x54: {  	_ =	shalt  }
0x55: {  	_ =	shalt  }
0x56: {  	_ =	shalt  }
0x57: {  	_ =	shalt  }
0x58: {  	_ =	shalt  }
0x59: {  	_ =	shalt  }
0x5a: {  	_ =	shalt  }
0x5b: {  	_ =	shalt  }
0x5c: {  	_ =	shalt  }
0x5d: {  	_ =	shalt  }
0x5e: {  	_ =	shalt  }
0x5f: {  	_ =	shalt  }
0x60: {  	_ =	shalt  }
0x61: {  	_ =	shalt  }
0x62: {  	_ =	shalt  }
0x63: {  	_ =	shalt  }
0x64: {  	_ =	shalt  }
0x65: {  	_ =	shalt  }
0x66: {  	_ =	shalt  }
0x67: {  	_ =	shalt  }
0x68: {  	_ =	shalt  }
0x69: {  	_ =	shalt  }
0x6a: {  	_ =	shalt  }
0x6b: {  	_ =	shalt  }
0x6c: {  	_ =	shalt  }
0x6d: {  	_ =	shalt  }
0x6e: {  	_ =	shalt  }
0x6f: {  	_ =	shalt  }
0x70: {  	_ =	shalt  }
0x71: {  	_ =	shalt  }
0x72: {  	_ =	shalt  }
0x73: {  	_ =	shalt  }
0x74: {  	_ =	shalt  }
0x75: {  	_ =	shalt  }
0x76: {  	_ =	shalt  }
0x77: {  	_ =	shalt  }
0x78: {  	_ =	shalt  }
0x79: {  	_ =	shalt  }
0x7a: {  	_ =	shalt  }
0x7b: {  	_ =	shalt  }
0x7c: {  	_ =	shalt  }
0x7d: {  	_ =	shalt  }
0x7e: {  	_ =	shalt  }
0x7f: {  	_ =	shalt  }
0x80: {  	_ =	shalt  }
0x81: {  	_ =	shalt  }
0x82: {  	_ =	shalt  }
0x83: {  	_ =	shalt  }
0x84: {  	_ =	shalt  }
0x85: {  	_ =	shalt  }
0x86: {  	_ =	shalt  }
0x87: {  	_ =	shalt  }
.Lfunc_end0:
.L_simem_size_0:
called_computation.2_lowered:
.L_overlay_start_0:
0x88: {  	s2 =	sld [smem:$0x3FD9]  }
0x89: {  	s3 =	sld [smem:$0x3FFE];
	_ =	sdelay $0x1  }
0x8a: {  	s1 =	srdreg.scid  }
0x8b: {  	s0 =	sand.u32 $0x1, s1  }
0x8c: {  	s16 =	sshll.u32 s0, $0xA;
	s2 =	sadd.s32 s3, s2  }
0x8d: {  	s2 =	sadd.s32 s2, s16  }
0x8e: {  	[smem:$0x3FC0] =	sst s2  }
0x8f: {  	_ = 	snop  }
0x90: {  	(tm) =	ssettm $0x1  }
0x91: {  	s17 =	sld [smem:$0x3FFB];
	_ =	sdelay $0x3  }
0x92: {  	_ =	strace s17  }
0x93: {  	s2 =	sld [smem:$0x3FFC];
	_ =	sdelay $0x3  }
0x94: {  	_ =	strace s2  }
0x95: {  	s2 =	sld [smem:$0x3FFD];
	_ =	sdelay $0x3  }
0x96: {  	_ =	strace s2  }
0x97: {  	_ =	strace $0x8FFFFFFF  }
0x98: {  	s18 =	sld [smem:$0x3FDB];
	_ =	sdelay $0x1  }
0x99: {  	s19 =	simm.s32 $_scs_section_size  }
0x9a: {  	s4 =	simm.s32 $_size__tile_overlayer_lowered;
	s5 =	simm.s32 $_tile_overlayer_lowered  }
0x9b: {  	s22 =	simm.s32 $0x1BFF;
	s21 =	sshll.u32 s5, $0x1;
	s2 =	sadd.s32 s19, s18  }
0x9c: {  	s6 =	simm.s32 $0x0;
	s20 =	sshll.u32 s4, $0x1;
	s4 =	sadd.s32 s21, s2  }
0x9d: {  	[timem:s6], [sflag:s22] =	dma.local [hbm:s4], s20  }
0x9e: {  	_ =	swait.ge [sflag:s22], s20  }
0x9f: {  	s3 =	ssub.s32 $0x0, s20;
	[sflag:s22] =	ssyncset.done $0x0  }
0xa0: {  	[sflag:s22] =	ssyncadd.s32 s3;
	_ =	sdelay $0x1  }
0xa1: {  	s23 =	simm.s32 $0x1B8B  }
0xa2: {  	_ =	swait.ge [sflag:s23], $0x1  }
0xa3: {  	[sflag:s23] =	ssyncset.done $0x0  }
0xa4: {  	s25 =	simm.s32 $0x1B8E;
	s24 =	sld [smem:$0x3FFE];
	[sflag:s23] =	ssyncadd.s32 $0xFFFFFFFF  }
0xa5: {  	s26 =	simm.s32 $execute0_lowered;
	[smem:$0x3FD2] =	sst s25  }
0xa6: {  	s4 =	sshll.u32 s26, $0x1;
	_ =	strace $0x8000004C;
	[dreg:$0x1] =	wrdreg $0xFFFFFFFF  }
0xa7: {  	s28 =	simm.s32 $_size_execute0_lowered;
	s2 =	sadd.s32 s2, s4;
	[dreg:$0x0] =	wrdreg $0x0  }
0xa8: {  	s4 =	sshll.u32 s28, $0x1;
	[dreg:$0x2] =	wrdreg s2  }
0xa9: {  	[dreg:$0x3] =	wrdreg s4  }
0xaa: {  	[dreg:$0x4] =	wrdreg $0xC0  }
0xab: {  	_ =	task [dreg:s6], $0x5FFFF  }
0xac: {  	[dreg:$0x1] =	wrdreg $0xFFFFFFFF  }
0xad: {  	[dreg:$0x0] =	wrdreg $0x60  }
0xae: {  	[dreg:$0x2] =	wrdreg s24  }
0xaf: {  	[dreg:$0x3] =	wrdreg $0xA6800  }
0xb0: {  	[dreg:$0x4] =	wrdreg $0x9  }
0xb1: {  	_ =	task.clear_ibuf [dreg:s6], $0x5FFFF;
	_ =	strace $0x9000004C  }
0xb2: {  	s29 =	simm.s32 $0x9;
	_ =	strace $0x8000004E  }
0xb3: {  	_ =	swait.ge [sflag:s29], $0x1  }
0xb4: {  	[sflag:s29] =	ssyncadd.s32 $0xFFFFFFFF  }
0xb5: {  	_ =	strace $0x9000004E  }
0xb6: {  	_ =	sfence  }
0xb7: {  	s30 =	sld [smem:$0x0];
	_ =	sdelay $0x2  }
0xb8: {  	s31 =	sshll.u32 s1, $0xD;
	s1 =	sshrl.u32 s1, $0x2  }
0xb9: {  	s3 =	sand.u32 $0x4000, s31;
	s1 =	sadd.s32 s1, s30  }
0xba: {  	s0 =	sor.u32 s3, s0;
	s1 =	sshll.u32 s1, $0x11  }
0xbb: {  	s0 =	sor.u32 s1, s0  }
0xbc: {  	s0 =	sadd.s32 $0x8F2B, s0  }
0xbd: {  	[sflag:s0] =	ssyncadd.remote.s32 $0x1  }
0xbe: {  	_ =	sfence.sel $0xFFFF  }
0xbf: {  	[dreg:$0x0] =	wrdreg $0xFFFFFFFF;
	(pc) =	sbr.abs _section_cstart, $3  }
0xc0: {  	[dreg:$0x1] =	wrdreg $0xFFFFFFFF  }
0xc1: {  	_ =	task.clear_ibuf [dreg:s6], $0x2FFFF;
	_ =	strace $0x9FFFFFFF  }
0xc2: {  	(tm) =	ssettm $0x7FFFFFFF  }
0xc3: {  	_ =	shalt  }
tec
execute0_lowered:
.L_overlay_start_1:
0x0: {  	(tag) =	ssettag $0x1  }
0x1: {  	s4 =	rddreg [dreg:$0x0]  }
0x2: {  	s1 =	rddreg [dreg:$0x1]  }
0x3: {  	s0 =	rddreg [dreg:$0x2];
	s3 =	simm.s32 $0x0;
	s2 =	stileid.u32  }
0x4: {  	s7 =	srdreg.scid;
	s15 =	simm.s32 $0x7E80;
	s16 =	simm.s32 $0x1  }
0x5: {  	[smem:$0x7FF] =	sst s3;
	s8 =	sadd.s32 $0x189A00, s4;
	s6 =	smul.u32 $0x7D0, s2  }
0x6: {  	s5 =	sshll.u32 s2, $0xB;
	s18 =	smul.u32 $0x2800, s2;
	s7 =	sand.u32 $0x1, s7  }
0x7: {  	s10 =	smul.u32 $0x50000, s2;
	s12 =	sadd.s32 $0xE9A00, s4;
	s31 =	sshll.u32 s2, $0x6  }
0x8: {  	_ =	strace $0x8000004D;
	s5 =	sadd.s32 s5, s4;
	s9 =	ssub.s32 $0x2, s7  }
0x9: {  	s13 =	smul.u32 $0x50000, s7;
	s6 =	sadd.s32 s6, s4;
	s11 =	sadd.s32 s18, s4  }
0xa: {  	s29 =	sshrl.u32 s9, $0x1;
	s10 =	sshrl.u32 s10, $0x2;
	s4 =	sadd.s32 $0xE1A00, s5  }
0xb: {  	s9 =	ssub.s32 s9, s29;
	s5 =	sadd.s32 $0x89C00, s6;
	s14 =	sadd.s32 s10, s1  }
0xc: {  	s6 =	sadd.s32 $0x11C00, s11;
	s7 =	sadd.s32 s8, s13;
	s30 =	sadd.s32 $0x28000, s13  }
0xd: {  	s17 =	sadd.s32 s12, s13;
	s10 =	simm.s32 $0x2;
	s11 =	simm.s32 $0x4000  }
0xe: {  	s8 =	sadd.s32 s8, s30;
	s19 =	sadd.s32 s12, s30;
	s9 =	smax.u32 s9, $0x1  }
0xf: {  	s12 =	sor.u32 $0x1C02, s31;
	s13 =	sshrl.u32 s14, $0x3;
	s14 =	simm.s32 $0x50  }
0x10: {  	s17 =	sadd.s32 s18, s17;
	s18 =	sadd.s32 s18, s19;
	s19 =	simm.s32 $0x0  }
.LBB2_1:
0x11: {  	[tilespmem:s3], [sflag:$0x2] =	stream.linear.gather [hbm4b:s4+s3], $0x3E80, $0x38;
	[tilespmem:$0x1E680] =	vst v63  }
0x12: {  	_ =	swait.ge [sflag:s10], $0x3E80  }
0x13: {  	[sflag:s10] =	ssyncset.done $0x0  }
0x14: {  	[sflag:s10] =	ssyncadd.s32 $0xFFFFC180  }
0x15: {  	[tilespmem:s11], [sflag:$0x2] =	stream.linear.gather [hbm4b:s5+s3], $0x3E80, $0x38;
	[tilespmem:$0x1E680] =	vst v63  }
0x16: {  	_ =	swait.ge [sflag:s10], $0x3E80  }
0x17: {  	[sflag:s10] =	ssyncset.done $0x0  }
0x18: {  	[sflag:s10] =	ssyncadd.s32 $0xFFFFC180  }
0x19: {  	[spmem:s13], [sflag:s12] =	dma.local [hbm:s6], $0x2800  }
0x1a: {  	_ =	swait.ge [sflag:s10], $0x2800  }
0x1b: {  	[sflag:s10] =	ssyncset.done $0x0  }
0x1c: {  	[sflag:s10] =	ssyncadd.s32 $0xFFFFD800  }
0x1d: {  	s20 =	simm.s32 $0x0;
	[bflag:$0x0] =	sbarrier.arrive $0xFFFF  }
0x1e: {  	[tilespmem:s15], [sflag:$0x1] =	stream.indirect.gather [hbm4b:s7+s14], $0x80, s20, s14, $0xb8;
	[tilespmem:$0x1E680] =	vst v63  }
0x1f: {  	_ =	swait.ge [sflag:s16], $0x2800  }
0x20: {  	[sflag:s16] =	ssyncset.done $0x0  }
0x21: {  	s31 =	simm.s32 $0x4000;
	[sflag:s16] =	ssyncadd.s32 $0xFFFFD800  }
0x22: {  	[spmem:s1] =	stream.indirect.scatter.add.f32 [tilespmem:s15], [sflag:$0x2], $0x80, s31, s14, $0xb8;
	[tilespmem:$0x1E680] =	vst v63  }
0x23: {  	_ =	swait.ge [sflag:s10], $0x2800  }
0x24: {  	s21 =	simm.s32 $0x400;
	s20 =	simm.s32 $0x200;
	[sflag:s10] =	ssyncset.done $0x0  }
.LBB2_2:
0x25: {  	s22 =	sshra.s32 s20, $0x2  }
0x26: {  	[sflag:s10] =	ssyncadd.s32 $0xFFFFD800;
	s20 =	smov.u32 s21;
	s23 =	sadd.s32 $0x200, s21  }
0x27: {  	[tilespmem:s15], [sflag:$0x1] =	stream.indirect.gather [hbm4b:s7+s14], $0x80, s22, s14, $0xb8;
	[tilespmem:$0x1E680] =	vst v63  }
0x28: {  	p0 =	sne.s32 s21, $0xF800;
	_ =	swait.ge [sflag:s16], $0x2800  }
.Ltmp0:
0x29: {  	[sflag:s16] =	ssyncset.done $0x0;
	(pc) =	sbr.rel @p0 .LBB2_2-.Ltmp0, $4  }
0x2a: {  	s21 =	sadd.s32 $0x4000, s22;
	[sflag:s16] =	ssyncadd.s32 $0xFFFFD800  }
0x2b: {  	[spmem:s1] =	stream.indirect.scatter.add.f32 [tilespmem:s15], [sflag:$0x2], $0x80, s21, s14, $0xb8;
	[tilespmem:$0x1E680] =	vst v63  }
0x2c: {  	_ =	swait.ge [sflag:s10], $0x2800  }
0x2d: {  	s21 =	smov.u32 s23;
	[sflag:s10] =	ssyncset.done $0x0  }
0x2e: {  	s20 =	sshra.s32 s20, $0x2;
	[sflag:s10] =	ssyncadd.s32 $0xFFFFD800  }
0x2f: {  	[tilespmem:s15], [sflag:$0x1] =	stream.indirect.gather [hbm4b:s7+s14], $0x80, s20, s14, $0xb8;
	[tilespmem:$0x1E680] =	vst v63  }
0x30: {  	_ =	swait.ge [sflag:s16], $0x2800  }
0x31: {  	[sflag:s16] =	ssyncset.done $0x0  }
0x32: {  	s20 =	sadd.s32 $0x4000, s20;
	[sflag:s16] =	ssyncadd.s32 $0xFFFFD800  }
0x33: {  	[spmem:s1] =	stream.indirect.scatter.add.f32 [tilespmem:s15], [sflag:$0x2], $0x80, s20, s14, $0xb8;
	[tilespmem:$0x1E680] =	vst v63  }
0x34: {  	_ =	swait.ge [sflag:s10], $0x2800  }
0x35: {  	[sflag:s10] =	ssyncset.done $0x0  }
0x36: {  	[sflag:s10] =	ssyncadd.s32 $0xFFFFD800  }
0x37: {  	[bflag:$0x0] =	sbarrier.arrive $0xFFFF  }
0x38: {  	[hbm:s17], [sflag:s12] =	dma.local [spmem:s13], $0x2800  }
0x39: {  	_ =	swait.ge [sflag:s10], $0x2800  }
0x3a: {  	[sflag:s10] =	ssyncset.done $0x0  }
0x3b: {  	[sflag:s10] =	ssyncadd.s32 $0xFFFFD800  }
0x3c: {  	[spmem:s13], [sflag:s12] =	dma.local [hbm:s6], $0x2800  }
0x3d: {  	_ =	swait.ge [sflag:s10], $0x2800  }
0x3e: {  	[sflag:s10] =	ssyncset.done $0x0  }
0x3f: {  	[sflag:s10] =	ssyncadd.s32 $0xFFFFD800  }
0x40: {  	s30 =	simm.s32 $0x0;
	[bflag:$0x0] =	sbarrier.arrive $0xFFFF  }
0x41: {  	[tilespmem:s15], [sflag:$0x1] =	stream.indirect.gather [hbm4b:s8+s14], $0x80, s30, s14, $0xb8;
	[tilespmem:$0x1E680] =	vst v63  }
0x42: {  	_ =	swait.ge [sflag:s16], $0x2800  }
0x43: {  	[sflag:s16] =	ssyncset.done $0x0  }
0x44: {  	s31 =	simm.s32 $0x4000;
	[sflag:s16] =	ssyncadd.s32 $0xFFFFD800  }
0x45: {  	[spmem:s1] =	stream.indirect.scatter.add.f32 [tilespmem:s15], [sflag:$0x2], $0x80, s31, s14, $0xb8;
	[tilespmem:$0x1E680] =	vst v63  }
0x46: {  	_ =	swait.ge [sflag:s10], $0x2800  }
0x47: {  	s21 =	simm.s32 $0x400;
	s20 =	simm.s32 $0x200;
	[sflag:s10] =	ssyncset.done $0x0  }
.LBB2_4:
0x48: {  	s22 =	sshra.s32 s20, $0x2  }
0x49: {  	[sflag:s10] =	ssyncadd.s32 $0xFFFFD800;
	s20 =	smov.u32 s21;
	s23 =	sadd.s32 $0x200, s21  }
0x4a: {  	[tilespmem:s15], [sflag:$0x1] =	stream.indirect.gather [hbm4b:s8+s14], $0x80, s22, s14, $0xb8;
	[tilespmem:$0x1E680] =	vst v63  }
0x4b: {  	p0 =	sne.s32 s21, $0xF800;
	_ =	swait.ge [sflag:s16], $0x2800  }
.Ltmp1:
0x4c: {  	[sflag:s16] =	ssyncset.done $0x0;
	(pc) =	sbr.rel @p0 .LBB2_4-.Ltmp1, $4  }
0x4d: {  	s21 =	sadd.s32 $0x4000, s22;
	[sflag:s16] =	ssyncadd.s32 $0xFFFFD800  }
0x4e: {  	[spmem:s1] =	stream.indirect.scatter.add.f32 [tilespmem:s15], [sflag:$0x2], $0x80, s21, s14, $0xb8;
	[tilespmem:$0x1E680] =	vst v63  }
0x4f: {  	_ =	swait.ge [sflag:s10], $0x2800  }
0x50: {  	s21 =	smov.u32 s23;
	[sflag:s10] =	ssyncset.done $0x0  }
0x51: {  	s20 =	sshra.s32 s20, $0x2;
	[sflag:s10] =	ssyncadd.s32 $0xFFFFD800  }
0x52: {  	[tilespmem:s15], [sflag:$0x1] =	stream.indirect.gather [hbm4b:s8+s14], $0x80, s20, s14, $0xb8;
	[tilespmem:$0x1E680] =	vst v63  }
0x53: {  	_ =	swait.ge [sflag:s16], $0x2800  }
0x54: {  	[sflag:s16] =	ssyncset.done $0x0  }
0x55: {  	s20 =	sadd.s32 $0x4000, s20;
	[sflag:s16] =	ssyncadd.s32 $0xFFFFD800  }
0x56: {  	[spmem:s1] =	stream.indirect.scatter.add.f32 [tilespmem:s15], [sflag:$0x2], $0x80, s20, s14, $0xb8;
	[tilespmem:$0x1E680] =	vst v63  }
0x57: {  	_ =	swait.ge [sflag:s10], $0x2800  }
0x58: {  	s19 =	sadd.s32 $0x1, s19;
	[sflag:s10] =	ssyncset.done $0x0  }
0x59: {  	p0 =	sne.s32 s19, s9;
	[sflag:s10] =	ssyncadd.s32 $0xFFFFD800  }
.Ltmp2:
0x5a: {  	[bflag:$0x0] =	sbarrier.arrive $0xFFFF;
	(pc) =	sbr.rel @p0 .LBB2_1-.Ltmp2, $4  }
0x5b: {  	[hbm:s18], [sflag:s12] =	dma.local [spmem:s13], $0x2800  }
0x5c: {  	_ =	swait.ge [sflag:s10], $0x2800  }
0x5d: {  	[sflag:s10] =	ssyncset.done $0x0  }
0x5e: {  	[sflag:s10] =	ssyncadd.s32 $0xFFFFD800  }
0x5f: {  	_ =	sfence.sel $0x180000  }
0x60: {  	[bflag:$0x0] =	sbarrier.arrive $0xFFFF  }
0x61: {  	p0 =	sne.s32 s2, $0x0;
	_ =	strace $0x9000004D  }
0x62: {  	s0 =	sadd.s32 @!p0 $0x100000, s0;
	[bflag:$0x2] =	sbarrier.arrive $0xFFFF  }
0x63: {  	[sflag:s0] =	ssyncadd.tile.s32 @!p0 $0x1;
	_ =	shalt  }
.Lfunc_end2:
_tile_overlayer_lowered:
.L_overlay_start_2:
0x64: {  	(tag) =	ssettag $0x2  }
0x65: {  	s0 =	rddreg [dreg:$0x0];
	s2 =	stileid.u32  }
0x66: {  	s1 =	rddreg [dreg:$0x1];
	p0 =	sne.s32 s2, $0x0  }
0x67: {  	s3 =	rddreg [dreg:$0x2];
	[bflag:$0x3] =	sbarrier.arrive $0xFFFF;
	s2 =	simm.s32 @!p0 $0x1C02  }
0x68: {  	[timem:s3], [sflag:s2] =	dma.local @!p0 [hbm:s0], s1  }
0x69: {  	s0 =	simm.s32 @!p0 $0x2  }
0x6a: {  	_ =	swait.ge @!p0 [sflag:s0], s1  }
0x6b: {  	s1 =	ssub.s32 @!p0 $0x0, s1;
	[sflag:s0] =	ssyncset.done @!p0 $0x0  }
0x6c: {  	[sflag:s0] =	ssyncadd.s32 @!p0 s1  }
0x6d: {  	[bflag:$0x3] =	sbarrier.arrive $0xFFFF  }
0x6e: {  	_ =	shalt  }

// kernel: kernel.23.cloned.1.call-start
scs
__scs_entry_jumppad:
0x0: {  	(pc) =	sbr.rel $0x88, $3  }
0x1: {  	(tag) =	ssettag $0x0;
	lr =	simm.s32 $0x1  }
0x2: {  	[smem:$0x3F99] =	sst lr;
	_ =	strace $0xD0000000  }
0x3: {  	_ = 	snop  }
0x4: {  	_ = 	snop  }
0x5: {  	_ = 	snop  }
0x6: {  	_ = 	snop  }
0x7: {  	_ = 	snop  }
__scs_overlays_trampoline_lowered:
0x8: {  	[smem:$0x3FA8] =	sst s0  }
0x9: {  	[smem:$0x3FA9] =	sst s1  }
0xa: {  	[smem:$0x3FAA] =	sst s2  }
0xb: {  	[smem:$0x3FAB] =	sst s3  }
0xc: {  	[smem:$0x3FAC] =	sst s4  }
0xd: {  	[smem:$0x3FAD] =	sst s5  }
0xe: {  	[smem:$0x3FAE] =	sst s6  }
0xf: {  	[smem:$0x3FAF] =	sst s7  }
0x10: {  	[smem:$0x3FB0] =	sst s8  }
0x11: {  	[smem:$0x3FB1] =	sst s9;
	s0 =	simm.s32 @!p0 $0x0  }
0x12: {  	s1 =	sld [smem:$0x3F97];
	s0 =	simm.s32 @p0 $0x1  }
0x13: {  	[smem:$0x3FB2] =	sst s0;
	s0 =	simm.s32 @!p1 $0x0  }
0x14: {  	s2 =	sld [smem:$0x3F96];
	s0 =	simm.s32 @p1 $0x1  }
0x15: {  	[smem:$0x3FB3] =	sst s0;
	s0 =	simm.s32 @!p2 $0x0  }
0x16: {  	s3 =	sld [smem:$0x3FDB];
	s0 =	simm.s32 @p2 $0x1  }
0x17: {  	s4 =	simm.s32 $0x1BF5;
	[smem:$0x3FB5] =	sst s0  }
0x18: {  	s0 =	sld [smem:$0x3F98];
	_ =	swait.ge [sflag:s4], $0x0  }
0x19: {  	s7 =	sld [smem:$0x3F99]  }
0x1a: {  	s8 =	sadd.s32 $0xFFFFE003, lr  }
0x1b: {  	s9 =	sadd.s32 $0xFFFFFEF7, lr;
	s5 =	simm.s32 $0xFFFFFFFF;
	p2 =	slt.u32 s8, $0xFFFFF086  }
0x1c: {  	p1 =	slt.u32 s9, $0xF7A;
	s5 =	simm.s32 @!p2 $0x0  }
0x1d: {  	s5 =	simm.s32 @p1 $0x1;
	p0 =	seq.s32 s7, s2  }
0x1e: {  	s7 =	smul.u32 @!p0 $0xF7A, s2;
	p2 =	seq.s32 @!p0 s5, $0x0  }
0x1f: {  	s9 =	smul.u32 $0xF7A, s1;
	s8 =	simm.s32 @!p0 $0x1BF5;
	p2 =	por !p2, p0  }
0x20: {  	[sflag:s8] =	ssyncset.s32 @!p0 $0xFFFFF086;
	s6 =	sadd.s32 @!p0 s3, s7;
	s7 =	simm.s32 @!p0 $0x108  }
0x21: {  	s3 =	sadd.s32 s3, s9;
	s6 =	sadd.s32 @!p0 $0x88, s6;
	s7 =	simm.s32 @p2 $0x1082  }
0x22: {  	[simem:s7], [sflag:s8] =	dma.local @!p0 [hbm:s6], $0xF7A  }
0x23: {  	s9 =	sor.u32 $0xD0000000, s2;
	s6 =	simm.s32 $0x108;
	_ =	swait.ge @!p0 [sflag:s8], $0x0  }
0x24: {  	s3 =	sadd.s32 $0x88, s3;
	s6 =	simm.s32 @!p1 $0x1082;
	[sflag:s4] =	ssyncset.s32 $0xFFFFF086  }
0x25: {  	[simem:s6], [sflag:s4] =	dma.local [hbm:s3], $0xF7A  }
0x26: {  	[smem:$0x3F99] =	sst s1;
	(tag) =	ssettag s2;
	_ =	strace s9  }
0x27: {  	s1 =	sld [smem:$0x3FA9]  }
0x28: {  	s2 =	sld [smem:$0x3FAA]  }
0x29: {  	s4 =	sld [smem:$0x3FAC]  }
0x2a: {  	p0 =	seq.s32 s5, $0x0;
	s5 =	sld [smem:$0x3FAD]  }
0x2b: {  	s6 =	sld [smem:$0x3FAE]  }
0x2c: {  	s7 =	sld [smem:$0x3FAF]  }
0x2d: {  	s3 =	simm.s32 $0x108;
	s8 =	sld [smem:$0x3FB0]  }
0x2e: {  	s3 =	simm.s32 @!p0 $0x1082;
	s9 =	sld [smem:$0x3FB1]  }
0x2f: {  	lr =	sadd.s32 s0, s3;
	s0 =	sld [smem:$0x3FA8]  }
0x30: {  	s3 =	sld [smem:$0x3FAB]  }
0x31: {  	[smem:$0x3FB4] =	sst s10  }
0x32: {  	s10 =	sld [smem:$0x3FB2];
	_ =	sdelay $0x3  }
0x33: {  	p0 =	seq.s32 s10, $0x1;
	s10 =	sld [smem:$0x3FB4];
	_ =	sdelay $0x3  }
0x34: {  	[smem:$0x3FB4] =	sst s10  }
0x35: {  	s10 =	sld [smem:$0x3FB3];
	_ =	sdelay $0x3  }
0x36: {  	p1 =	seq.s32 s10, $0x1;
	s10 =	sld [smem:$0x3FB4];
	_ =	sdelay $0x3  }
0x37: {  	[smem:$0x3FB4] =	sst s10  }
0x38: {  	s10 =	sld [smem:$0x3FB5]  }
0x39: {  	_ = 	snop;
	(pc) =	sbr.ind lr, $3  }
0x3a: {  	_ = 	snop  }
0x3b: {  	_ = 	snop  }
0x3c: {  	p2 =	seq.s32 s10, $0x1;
	s10 =	sld [smem:$0x3FB4]  }
0x3d: {  	_ =	shalt  }
0x3e: {  	_ =	shalt  }
0x3f: {  	_ =	shalt  }
0x40: {  	_ =	shalt  }
0x41: {  	_ =	shalt  }
0x42: {  	_ =	shalt  }
0x43: {  	_ =	shalt  }
0x44: {  	_ =	shalt  }
0x45: {  	_ =	shalt  }
0x46: {  	_ =	shalt  }
0x47: {  	_ =	shalt  }
0x48: {  	_ =	shalt  }
0x49: {  	_ =	shalt  }
0x4a: {  	_ =	shalt  }
0x4b: {  	_ =	shalt  }
0x4c: {  	_ =	shalt  }
0x4d: {  	_ =	shalt  }
0x4e: {  	_ =	shalt  }
0x4f: {  	_ =	shalt  }
0x50: {  	_ =	shalt  }
0x51: {  	_ =	shalt  }
0x52: {  	_ =	shalt  }
0x53: {  	_ =	shalt  }
0x54: {  	_ =	shalt  }
0x55: {  	_ =	shalt  }
0x56: {  	_ =	shalt  }
0x57: {  	_ =	shalt  }
0x58: {  	_ =	shalt  }
0x59: {  	_ =	shalt  }
0x5a: {  	_ =	shalt  }
0x5b: {  	_ =	shalt  }
0x5c: {  	_ =	shalt  }
0x5d: {  	_ =	shalt  }
0x5e: {  	_ =	shalt  }
0x5f: {  	_ =	shalt  }
0x60: {  	_ =	shalt  }
0x61: {  	_ =	shalt  }
0x62: {  	_ =	shalt  }
0x63: {  	_ =	shalt  }
0x64: {  	_ =	shalt  }
0x65: {  	_ =	shalt  }
0x66: {  	_ =	shalt  }
0x67: {  	_ =	shalt  }
0x68: {  	_ =	shalt  }
0x69: {  	_ =	shalt  }
0x6a: {  	_ =	shalt  }
0x6b: {  	_ =	shalt  }
0x6c: {  	_ =	shalt  }
0x6d: {  	_ =	shalt  }
0x6e: {  	_ =	shalt  }
0x6f: {  	_ =	shalt  }
0x70: {  	_ =	shalt  }
0x71: {  	_ =	shalt  }
0x72: {  	_ =	shalt  }
0x73: {  	_ =	shalt  }
0x74: {  	_ =	shalt  }
0x75: {  	_ =	shalt  }
0x76: {  	_ =	shalt  }
0x77: {  	_ =	shalt  }
0x78: {  	_ =	shalt  }
0x79: {  	_ =	shalt  }
0x7a: {  	_ =	shalt  }
0x7b: {  	_ =	shalt  }
0x7c: {  	_ =	shalt  }
0x7d: {  	_ =	shalt  }
0x7e: {  	_ =	shalt  }
0x7f: {  	_ =	shalt  }
0x80: {  	_ =	shalt  }
0x81: {  	_ =	shalt  }
0x82: {  	_ =	shalt  }
0x83: {  	_ =	shalt  }
0x84: {  	_ =	shalt  }
0x85: {  	_ =	shalt  }
0x86: {  	_ =	shalt  }
0x87: {  	_ =	shalt  }
.Lfunc_end0:
.L_simem_size_0:
called_computation.3_lowered:
.L_overlay_start_0:
0x88: {  	s2 =	sld [smem:$0x3FD9]  }
0x89: {  	s3 =	sld [smem:$0x3FFE];
	_ =	sdelay $0x1  }
0x8a: {  	s1 =	srdreg.scid  }
0x8b: {  	s0 =	sand.u32 $0x1, s1  }
0x8c: {  	s16 =	sshll.u32 s0, $0xA;
	s2 =	sadd.s32 s3, s2  }
0x8d: {  	s2 =	sadd.s32 s2, s16  }
0x8e: {  	[smem:$0x3FC0] =	sst s2  }
0x8f: {  	_ = 	snop  }
0x90: {  	(tm) =	ssettm $0x1  }
0x91: {  	s17 =	sld [smem:$0x3FFB];
	_ =	sdelay $0x3  }
0x92: {  	_ =	strace s17  }
0x93: {  	s2 =	sld [smem:$0x3FFC];
	_ =	sdelay $0x3  }
0x94: {  	_ =	strace s2  }
0x95: {  	s2 =	sld [smem:$0x3FFD];
	_ =	sdelay $0x3  }
0x96: {  	_ =	strace s2  }
0x97: {  	_ =	strace $0x8FFFFFFF  }
0x98: {  	s18 =	sld [smem:$0x3FDB];
	_ =	sdelay $0x1  }
0x99: {  	s19 =	simm.s32 $_scs_section_size  }
0x9a: {  	s4 =	simm.s32 $_size__tile_overlayer_lowered;
	s5 =	simm.s32 $_tile_overlayer_lowered  }
0x9b: {  	s22 =	simm.s32 $0x1BFF;
	s21 =	sshll.u32 s5, $0x1;
	s2 =	sadd.s32 s19, s18  }
0x9c: {  	s6 =	simm.s32 $0x0;
	s20 =	sshll.u32 s4, $0x1;
	s4 =	sadd.s32 s21, s2  }
0x9d: {  	[timem:s6], [sflag:s22] =	dma.local [hbm:s4], s20  }
0x9e: {  	_ =	swait.ge [sflag:s22], s20  }
0x9f: {  	s3 =	ssub.s32 $0x0, s20;
	[sflag:s22] =	ssyncset.done $0x0  }
0xa0: {  	[sflag:s22] =	ssyncadd.s32 s3;
	_ =	sdelay $0x1  }
0xa1: {  	s23 =	simm.s32 $0x1B8B  }
0xa2: {  	_ =	swait.ge [sflag:s23], $0x1  }
0xa3: {  	[sflag:s23] =	ssyncset.done $0x0  }
0xa4: {  	s25 =	simm.s32 $0x1B8E;
	s24 =	sld [smem:$0x3FFE];
	[sflag:s23] =	ssyncadd.s32 $0xFFFFFFFF  }
0xa5: {  	s26 =	simm.s32 $execute0_lowered;
	[smem:$0x3FD2] =	sst s25  }
0xa6: {  	s4 =	sshll.u32 s26, $0x1;
	_ =	strace $0x8000004F;
	[dreg:$0x1] =	wrdreg $0xFFFFFFFF  }
0xa7: {  	s28 =	simm.s32 $_size_execute0_lowered;
	s2 =	sadd.s32 s2, s4;
	[dreg:$0x0] =	wrdreg $0x0  }
0xa8: {  	s4 =	sshll.u32 s28, $0x1;
	[dreg:$0x2] =	wrdreg s2  }
0xa9: {  	[dreg:$0x3] =	wrdreg s4  }
0xaa: {  	[dreg:$0x4] =	wrdreg $0xC0  }
0xab: {  	_ =	task [dreg:s6], $0x5FFFF  }
0xac: {  	[dreg:$0x1] =	wrdreg $0xFFFFFFFF  }
0xad: {  	[dreg:$0x0] =	wrdreg $0x60  }
0xae: {  	[dreg:$0x2] =	wrdreg s24  }
0xaf: {  	[dreg:$0x3] =	wrdreg $0x92800  }
0xb0: {  	[dreg:$0x4] =	wrdreg $0x9  }
0xb1: {  	_ =	task.clear_ibuf [dreg:s6], $0x5FFFF;
	_ =	strace $0x9000004F  }
0xb2: {  	s29 =	simm.s32 $0x9;
	_ =	strace $0x80000051  }
0xb3: {  	_ =	swait.ge [sflag:s29], $0x1  }
0xb4: {  	[sflag:s29] =	ssyncadd.s32 $0xFFFFFFFF  }
0xb5: {  	_ =	strace $0x90000051  }
0xb6: {  	_ =	sfence  }
0xb7: {  	s30 =	sld [smem:$0x0];
	_ =	sdelay $0x2  }
0xb8: {  	s31 =	sshll.u32 s1, $0xD;
	s1 =	sshrl.u32 s1, $0x2  }
0xb9: {  	s3 =	sand.u32 $0x4000, s31;
	s1 =	sadd.s32 s1, s30  }
0xba: {  	s0 =	sor.u32 s3, s0;
	s1 =	sshll.u32 s1, $0x11  }
0xbb: {  	s0 =	sor.u32 s1, s0  }
0xbc: {  	s0 =	sadd.s32 $0x8F2B, s0  }
0xbd: {  	[sflag:s0] =	ssyncadd.remote.s32 $0x1  }
0xbe: {  	_ =	sfence.sel $0xFFFF  }
0xbf: {  	[dreg:$0x0] =	wrdreg $0xFFFFFFFF;
	(pc) =	sbr.abs _section_cstart, $3  }
0xc0: {  	[dreg:$0x1] =	wrdreg $0xFFFFFFFF  }
0xc1: {  	_ =	task.clear_ibuf [dreg:s6], $0x2FFFF;
	_ =	strace $0x9FFFFFFF  }
0xc2: {  	(tm) =	ssettm $0x7FFFFFFF  }
0xc3: {  	_ =	shalt  }
tec
execute0_lowered:
.L_overlay_start_1:
0x0: {  	(tag) =	ssettag $0x1  }
0x1: {  	s5 =	rddreg [dreg:$0x0]  }
0x2: {  	s1 =	rddreg [dreg:$0x1];
	s2 =	srdreg.scid  }
0x3: {  	s0 =	rddreg [dreg:$0x2];
	s6 =	sand.u32 $0x1, s2  }
0x4: {  	s3 =	simm.s32 $0x0;
	s2 =	stileid.u32;
	s7 =	smul.u32 $0x7D00, s6  }
0x5: {  	[smem:$0x7FF] =	sst s3;
	s16 =	smul.u32 $0x2800, s2  }
0x6: {  	s4 =	sadd.s32 $0x49C00, s5;
	_ =	strace $0x80000050;
	s10 =	smul.u32 $0x28000, s6  }
0x7: {  	s8 =	sshll.u32 s6, $0xF;
	s6 =	ssub.s32 $0x2, s6;
	s29 =	smul.u32 $0x50000, s2  }
0x8: {  	s11 =	sshll.u32 s2, $0xB;
	s14 =	smul.u32 $0x7D0, s2;
	s31 =	sshll.u32 s2, $0x6  }
0x9: {  	s8 =	sadd.s32 s8, s5;
	s12 =	sshrl.u32 s6, $0x1;
	s7 =	sadd.s32 s7, s5  }
0xa: {  	s9 =	sadd.s32 s16, s5;
	s8 =	sadd.s32 s11, s8;
	s10 =	sadd.s32 s10, s5  }
0xb: {  	s12 =	ssub.s32 s6, s12;
	s30 =	sshrl.u32 s29, $0x2;
	s11 =	sor.u32 $0x1C02, s31  }
0xc: {  	s5 =	sadd.s32 $0x39C00, s8;
	s13 =	sadd.s32 $0x2200, s7;
	s15 =	sadd.s32 s30, s1  }
0xd: {  	s6 =	sadd.s32 $0x11C00, s9;
	s17 =	sadd.s32 $0x71C00, s10;
	s7 =	smax.u32 s12, $0x1  }
0xe: {  	s8 =	simm.s32 $0x2;
	s10 =	simm.s32 $0x4000;
	s9 =	sadd.s32 s14, s13  }
0xf: {  	s12 =	sshrl.u32 s15, $0x3;
	s13 =	simm.s32 $0x28;
	s14 =	simm.s32 $0x7E80  }
0x10: {  	s15 =	simm.s32 $0x1;
	s16 =	sadd.s32 s16, s17;
	s17 =	simm.s32 $0x0  }
.LBB2_1:
0x11: {  	[tilespmem:s3], [sflag:$0x2] =	stream.linear.gather [hbm4b:s5+s3], $0x3E80, $0x38;
	[tilespmem:$0x1D280] =	vst v63  }
0x12: {  	_ =	swait.ge [sflag:s8], $0x3E80  }
0x13: {  	[sflag:s8] =	ssyncset.done $0x0  }
0x14: {  	[sflag:s8] =	ssyncadd.s32 $0xFFFFC180  }
0x15: {  	[tilespmem:s10], [sflag:$0x2] =	stream.linear.gather [hbm4b:s9+s3], $0x3E80, $0x38;
	[tilespmem:$0x1D280] =	vst v63  }
0x16: {  	_ =	swait.ge [sflag:s8], $0x3E80  }
0x17: {  	[sflag:s8] =	ssyncset.done $0x0  }
0x18: {  	[sflag:s8] =	ssyncadd.s32 $0xFFFFC180  }
0x19: {  	[spmem:s12], [sflag:s11] =	dma.local [hbm:s6], $0x2800  }
0x1a: {  	_ =	swait.ge [sflag:s8], $0x2800  }
0x1b: {  	[sflag:s8] =	ssyncset.done $0x0  }
0x1c: {  	[sflag:s8] =	ssyncadd.s32 $0xFFFFD800  }
0x1d: {  	s18 =	simm.s32 $0x0;
	[bflag:$0x0] =	sbarrier.arrive $0xFFFF  }
0x1e: {  	[tilespmem:s14], [sflag:$0x1] =	stream.indirect.gather [hbm4b:s4+s13], $0x80, s18, s13, $0xb8;
	[tilespmem:$0x1D280] =	vst v63  }
0x1f: {  	_ =	swait.ge [sflag:s15], $0x1400  }
0x20: {  	[sflag:s15] =	ssyncset.done $0x0  }
0x21: {  	s31 =	simm.s32 $0x4000;
	[sflag:s15] =	ssyncadd.s32 $0xFFFFEC00  }
0x22: {  	[spmem:s1] =	stream.indirect.scatter.add.f32 [tilespmem:s14], [sflag:$0x2], $0x80, s31, s13, $0xb8;
	[tilespmem:$0x1D280] =	vst v63  }
0x23: {  	_ =	swait.ge [sflag:s8], $0x1400  }
0x24: {  	s19 =	simm.s32 $0x400;
	s18 =	simm.s32 $0x200;
	[sflag:s8] =	ssyncset.done $0x0  }
.LBB2_2:
0x25: {  	s20 =	sshra.s32 s18, $0x2  }
0x26: {  	[sflag:s8] =	ssyncadd.s32 $0xFFFFEC00;
	s18 =	smov.u32 s19;
	s21 =	sadd.s32 $0x200, s19  }
0x27: {  	[tilespmem:s14], [sflag:$0x1] =	stream.indirect.gather [hbm4b:s4+s13], $0x80, s20, s13, $0xb8;
	[tilespmem:$0x1D280] =	vst v63  }
0x28: {  	p0 =	sne.s32 s19, $0xF800;
	_ =	swait.ge [sflag:s15], $0x1400  }
.Ltmp0:
0x29: {  	[sflag:s15] =	ssyncset.done $0x0;
	(pc) =	sbr.rel @p0 .LBB2_2-.Ltmp0, $4  }
0x2a: {  	s19 =	sadd.s32 $0x4000, s20;
	[sflag:s15] =	ssyncadd.s32 $0xFFFFEC00  }
0x2b: {  	[spmem:s1] =	stream.indirect.scatter.add.f32 [tilespmem:s14], [sflag:$0x2], $0x80, s19, s13, $0xb8;
	[tilespmem:$0x1D280] =	vst v63  }
0x2c: {  	_ =	swait.ge [sflag:s8], $0x1400  }
0x2d: {  	s19 =	smov.u32 s21;
	[sflag:s8] =	ssyncset.done $0x0  }
0x2e: {  	s18 =	sshra.s32 s18, $0x2;
	[sflag:s8] =	ssyncadd.s32 $0xFFFFEC00  }
0x2f: {  	[tilespmem:s14], [sflag:$0x1] =	stream.indirect.gather [hbm4b:s4+s13], $0x80, s18, s13, $0xb8;
	[tilespmem:$0x1D280] =	vst v63  }
0x30: {  	_ =	swait.ge [sflag:s15], $0x1400  }
0x31: {  	[sflag:s15] =	ssyncset.done $0x0  }
0x32: {  	s18 =	sadd.s32 $0x4000, s18;
	[sflag:s15] =	ssyncadd.s32 $0xFFFFEC00  }
0x33: {  	[spmem:s1] =	stream.indirect.scatter.add.f32 [tilespmem:s14], [sflag:$0x2], $0x80, s18, s13, $0xb8;
	[tilespmem:$0x1D280] =	vst v63  }
0x34: {  	_ =	swait.ge [sflag:s8], $0x1400  }
0x35: {  	s17 =	sadd.s32 $0x1, s17;
	[sflag:s8] =	ssyncset.done $0x0  }
0x36: {  	p0 =	sne.s32 s17, s7;
	[sflag:s8] =	ssyncadd.s32 $0xFFFFEC00  }
.Ltmp1:
0x37: {  	[bflag:$0x0] =	sbarrier.arrive $0xFFFF;
	(pc) =	sbr.rel @p0 .LBB2_1-.Ltmp1, $4  }
0x38: {  	[hbm:s16], [sflag:s11] =	dma.local [spmem:s12], $0x2800  }
0x39: {  	_ =	swait.ge [sflag:s8], $0x2800  }
0x3a: {  	[sflag:s8] =	ssyncset.done $0x0  }
0x3b: {  	[sflag:s8] =	ssyncadd.s32 $0xFFFFD800  }
0x3c: {  	_ =	sfence.sel $0x180000  }
0x3d: {  	[bflag:$0x0] =	sbarrier.arrive $0xFFFF  }
0x3e: {  	p0 =	sne.s32 s2, $0x0;
	_ =	strace $0x90000050  }
0x3f: {  	s0 =	sadd.s32 @!p0 $0x100000, s0;
	[bflag:$0x2] =	sbarrier.arrive $0xFFFF  }
0x40: {  	[sflag:s0] =	ssyncadd.tile.s32 @!p0 $0x1;
	_ =	shalt  }
.Lfunc_end2:
_tile_overlayer_lowered:
.L_overlay_start_2:
0x41: {  	(tag) =	ssettag $0x2  }
0x42: {  	s0 =	rddreg [dreg:$0x0];
	s2 =	stileid.u32  }
0x43: {  	s1 =	rddreg [dreg:$0x1];
	p0 =	sne.s32 s2, $0x0  }
0x44: {  	s3 =	rddreg [dreg:$0x2];
	[bflag:$0x3] =	sbarrier.arrive $0xFFFF;
	s2 =	simm.s32 @!p0 $0x1C02  }
0x45: {  	[timem:s3], [sflag:s2] =	dma.local @!p0 [hbm:s0], s1  }
0x46: {  	s0 =	simm.s32 @!p0 $0x2  }
0x47: {  	_ =	swait.ge @!p0 [sflag:s0], s1  }
0x48: {  	s1 =	ssub.s32 @!p0 $0x0, s1;
	[sflag:s0] =	ssyncset.done @!p0 $0x0  }
0x49: {  	[sflag:s0] =	ssyncadd.s32 @!p0 s1  }
0x4a: {  	[bflag:$0x3] =	sbarrier.arrive $0xFFFF  }
0x4b: {  	_ =	shalt  }

</sc_bundles>
